<compile_context>
chip_gen: v7x
topology: tpu7x:2x2x1
jax: 0.10.2.dev20260603
libtpu: 0.0.44.dev20260713+nightly
codegen_flags: <defaults>
</compile_context>

<pallas_src>
import functools

import jax
import jax.numpy as jnp
from jax import lax
from jax.experimental import pallas as pl
from jax.experimental.pallas import tpu as pltpu
from jax.experimental.pallas import tpu_sc as plsc

_LANES = 128


@functools.lru_cache(maxsize=None)
def _tc_pad_transpose(V, E):
    blk = 7936

    def body(in_ref, out_ref):
        t = jnp.transpose(in_ref[...], (1, 0))
        out_ref[:, :E] = t
        out_ref[:, E:] = jnp.zeros((blk, E), jnp.float32)

    return pl.pallas_call(
        body,
        grid=((V + blk - 1) // blk,),
        in_specs=[pl.BlockSpec((E, blk), lambda i: (0, i))],
        out_specs=pl.BlockSpec((blk, 2 * E), lambda i: (i, 0)),
        out_shape=jax.ShapeDtypeStruct((V, 2 * E), jnp.float32),
    )


@functools.lru_cache(maxsize=None)
def _build(B, S, E2, V):
    N = B * S
    NC, NS = 2, 16
    NW = NC * NS
    assert N % NW == 0
    per_w = N // NW
    assert per_w % S == 0
    C = 2 * S
    NCH = per_w // C
    SUB = ((0, 128), (128, 128), (256, 128), (384, 16))
    assert sum(n for _, n in SUB) == C

    mesh = plsc.VectorSubcoreMesh(core_axis_name="c", subcore_axis_name="s")

    @functools.partial(
        pl.kernel,
        mesh=mesh,
        out_type=jax.ShapeDtypeStruct((N, E2), jnp.float32),
        scratch_types=[
            pltpu.VMEM((per_w,), jnp.int32),
            pltpu.VMEM((2 * C, E2), jnp.float32),
            pltpu.VMEM_SHARED((C, E2), jnp.float32),
            pltpu.SemaphoreType.DMA,
            pltpu.SemaphoreType.DMA,
        ],
    )
    def body(x_hbm, tok_hbm, pos_hbm, out_hbm, idx_v, rows_v, pos_sh, sem,
             wsem):
        sid = lax.axis_index("s")
        wid = sid * NC + lax.axis_index("c")
        base = wid * per_w
        pltpu.sync_copy(x_hbm.at[pl.ds(base, per_w)], idx_v)
        @pl.when(sid == 0)
        def _():
            pltpu.sync_copy(pos_hbm.at[pl.ds(0, S)], rows_v.at[pl.ds(0, S)])
            for h in range(C // S):
                pltpu.sync_copy(rows_v.at[pl.ds(0, S)],
                                pos_sh.at[pl.ds(h * S, S)])
        plsc.subcore_barrier()

        def chunk_body(g, carry):
            cbase = g * C
            boff = (g & 1) * C
            buf = rows_v.at[pl.ds(boff, C)]

            @pl.when(g >= 2)
            def _():
                pltpu.make_async_copy(
                    out_hbm.at[pl.ds(base, C)], buf, wsem).wait()

            pltpu.sync_copy(pos_sh, buf)
            copies = [
                pltpu.async_copy(
                    tok_hbm.at[idx_v.at[pl.ds(cbase + off, n)]],
                    buf.at[pl.ds(off, n)],
                    sem,
                    add=True,
                )
                for off, n in SUB
            ]
            for cp in copies:
                cp.wait()
            pltpu.async_copy(buf, out_hbm.at[pl.ds(base + cbase, C)], wsem)
            return carry

        lax.fori_loop(0, NCH, chunk_body, 0)
        for _ in range(2):
            pltpu.make_async_copy(
                out_hbm.at[pl.ds(base, C)], rows_v.at[pl.ds(0, C)],
                wsem).wait()

    return body


def kernel(x, tok_table, pos_table):
    B, S = x.shape
    V, E = tok_table.shape
    idx = x.astype(jnp.int32).reshape(-1)
    pad = _LANES - E
    tok128 = _tc_pad_transpose(V, E)(tok_table.T)
    pos128 = jnp.pad(pos_table[:S], ((0, 0), (0, pad)))
    out = _build(B, S, _LANES, V)(idx, tok128, pos128)
    return out[:, :E].reshape(B, S, E)

# --- scband reference (transcript-rebuilt; emitter-appended) ---
"""Pipeline reference for scband-embed-44246753084158 (READ-ONLY COPY).

The authoritative reference and input builder live on the scoring server;
editing this copy changes nothing except your own understanding.
"""

import jax, jax.numpy as jnp
import numpy as np

VOCAB = 1000000
EMBED = 64
MAX_CTX = 2048
B = 1024
S = 200

def setup_inputs(seed: int = 0) -> dict:
    key = jax.random.key(seed)
    k1, k2, k3 = jax.random.split(key, 3)
    x = jax.random.randint(k1, (B, S), 0, VOCAB, dtype=jnp.int64 if jax.config.jax_enable_x64 else jnp.int32)
    tok_table = jax.random.normal(k2, (VOCAB, EMBED), dtype=jnp.float32) * 0.02
    pos_table = jax.random.normal(k3, (MAX_CTX, EMBED), dtype=jnp.float32) * 0.02
    return {"x": x, "tok_table": tok_table, "pos_table": pos_table}

def reference(x, tok_table, pos_table):
    x = x.astype(jnp.int32)
    seq_len = x.shape[1]
    tok_embeddings = jnp.take(tok_table, x, axis=0)  # [B, S, E]
    position_ids = jnp.arange(seq_len)
    pos_embeddings = jnp.take(pos_table, position_ids, axis=0)[None, :, :]  # [1, S, E]
    return tok_embeddings + pos_embeddings

if __name__ == "__main__":
    import jax
    _d = setup_inputs()
    print(jax.jit(kernel)(*tuple(_d.values())))

</pallas_src>

<mosaic_0001>
#map = affine_map<(d0, d1) -> (0)>
#map1 = affine_map<(d0, d1) -> (0, 0)>
module attributes {stable_mosaic.version = 14 : i64} {
  func.func @body(%arg0: i32, %arg1: i32, %arg2: memref<204800xi32, #tpu.memory_space<hbm>>, %arg3: memref<1000000x128xf32, #tpu.memory_space<hbm>>, %arg4: memref<200x128xf32, #tpu.memory_space<hbm>>, %arg5: memref<204800x128xf32, #tpu.memory_space<hbm>>, %arg6: memref<6400xi32, #tpu.memory_space<vmem>>, %arg7: memref<800x128xf32, #tpu.memory_space<vmem>>, %arg8: memref<400x128xf32, #tpu.memory_space<vmem_shared>>, %arg9: memref<!tpu.dma_semaphore, #tpu.memory_space<semaphore_mem>>, %arg10: memref<!tpu.dma_semaphore, #tpu.memory_space<semaphore_mem>>) attributes {dimension_semantics = [#tpu.dimension_semantics<core_parallel>, #tpu.dimension_semantics<subcore_parallel>], iteration_bounds = array<i64: 2, 16>, scalar_prefetch = 0 : i64, scratch_operands = 5 : i64, tpu.core_type = #tpu.core_type<sc_vector_subcore>, window_params = [{transform_indices = #map}, {transform_indices = #map1}, {transform_indices = #map1}, {transform_indices = #map1}]} {
    %mul3A = arith.constant 2 : i32
    %mul3A_0 = arith.muli %arg1, %mul3A : i32
    %add3A = arith.addi %mul3A_0, %arg0 : i32
    %mul3A_1 = arith.constant 6400 : i32
    %mul3A_2 = arith.muli %add3A, %mul3A_1 : i32
    "tpu.region"() ({
      %run_scoped3A = tpu.sem_alloc : memref<!tpu.dma_semaphore, #tpu.memory_space<semaphore_mem>>
      %dma_start3A = tpu.memref_slice %arg2[%mul3A_2] : memref<204800xi32, #tpu.memory_space<hbm>> -> memref<6400xi32, #tpu.memory_space<hbm>>
      %dma_start3A_29 = tpu.memref_slice %arg2[%mul3A_2] : memref<204800xi32, #tpu.memory_space<hbm>> -> memref<6400xi32, #tpu.memory_space<hbm>>
      tpu.enqueue_dma source(%dma_start3A_29 : memref<6400xi32, #tpu.memory_space<hbm>>) target(%arg6 : memref<6400xi32, #tpu.memory_space<vmem>>) target_semaphore(%run_scoped3A : memref<!tpu.dma_semaphore, #tpu.memory_space<semaphore_mem>>)
      %dma_wait3A_30 = tpu.memref_slice %arg2[%mul3A_2] : memref<204800xi32, #tpu.memory_space<hbm>> -> memref<6400xi32, #tpu.memory_space<hbm>>
      %dma_wait3A_31 = tpu.memref_slice %arg2[%mul3A_2] : memref<204800xi32, #tpu.memory_space<hbm>> -> memref<6400xi32, #tpu.memory_space<hbm>>
      tpu.wait_dma2 semaphore(%run_scoped3A : memref<!tpu.dma_semaphore, #tpu.memory_space<semaphore_mem>>) src(%dma_wait3A_31 : memref<6400xi32, #tpu.memory_space<hbm>>) dst(%arg6 : memref<6400xi32, #tpu.memory_space<vmem>>)
      tpu.yield
    }) : () -> ()
    %eq3A = arith.constant 0 : i32
    %eq3A_3 = arith.cmpi eq, %arg1, %eq3A : i32
    %convert_element_type3A = arith.extui %eq3A_3 : i1 to i32
    %cond3A = arith.constant 0 : i32
    %cond3A_4 = arith.cmpi ne, %convert_element_type3A, %cond3A : i32
    scf.if %cond3A_4 {
      "tpu.region"() ({
        %run_scoped3A = tpu.sem_alloc : memref<!tpu.dma_semaphore, #tpu.memory_space<semaphore_mem>>
        %dma_start3A = arith.constant 0 : i32
        %dma_start3A_29 = arith.constant 0 : i32
        %dma_start3A_30 = tpu.memref_slice %arg7[%dma_start3A, %dma_start3A_29] : memref<800x128xf32, #tpu.memory_space<vmem>> -> memref<200x128xf32, #tpu.memory_space<vmem>>
        %dma_start3A_31 = arith.constant 0 : i32
        %dma_start3A_32 = arith.constant 0 : i32
        %dma_start3A_33 = tpu.memref_slice %arg4[%dma_start3A_31, %dma_start3A_32] : memref<200x128xf32, #tpu.memory_space<hbm>> -> memref<200x128xf32, #tpu.memory_space<hbm>>
        %dma_start3A_34 = arith.constant 0 : i32
        %dma_start3A_35 = arith.constant 0 : i32
        %dma_start3A_36 = tpu.memref_slice %arg7[%dma_start3A_34, %dma_start3A_35] : memref<800x128xf32, #tpu.memory_space<vmem>> -> memref<200x128xf32, #tpu.memory_space<vmem>>
        %dma_start3A_37 = arith.constant 0 : i32
        %dma_start3A_38 = arith.constant 0 : i32
        %dma_start3A_39 = tpu.memref_slice %arg4[%dma_start3A_37, %dma_start3A_38] : memref<200x128xf32, #tpu.memory_space<hbm>> -> memref<200x128xf32, #tpu.memory_space<hbm>>
        tpu.enqueue_dma source(%dma_start3A_39 : memref<200x128xf32, #tpu.memory_space<hbm>>) target(%dma_start3A_36 : memref<200x128xf32, #tpu.memory_space<vmem>>) target_semaphore(%run_scoped3A : memref<!tpu.dma_semaphore, #tpu.memory_space<semaphore_mem>>)
        %dma_wait3A_40 = arith.constant 0 : i32
        %dma_wait3A_41 = arith.constant 0 : i32
        %dma_wait3A_42 = tpu.memref_slice %arg7[%dma_wait3A_40, %dma_wait3A_41] : memref<800x128xf32, #tpu.memory_space<vmem>> -> memref<200x128xf32, #tpu.memory_space<vmem>>
        %dma_wait3A_43 = arith.constant 0 : i32
        %dma_wait3A_44 = arith.constant 0 : i32
        %dma_wait3A_45 = tpu.memref_slice %arg4[%dma_wait3A_43, %dma_wait3A_44] : memref<200x128xf32, #tpu.memory_space<hbm>> -> memref<200x128xf32, #tpu.memory_space<hbm>>
        %dma_wait3A_46 = arith.constant 0 : i32
        %dma_wait3A_47 = arith.constant 0 : i32
        %dma_wait3A_48 = tpu.memref_slice %arg7[%dma_wait3A_46, %dma_wait3A_47] : memref<800x128xf32, #tpu.memory_space<vmem>> -> memref<200x128xf32, #tpu.memory_space<vmem>>
        %dma_wait3A_49 = arith.constant 0 : i32
        %dma_wait3A_50 = arith.constant 0 : i32
        %dma_wait3A_51 = tpu.memref_slice %arg4[%dma_wait3A_49, %dma_wait3A_50] : memref<200x128xf32, #tpu.memory_space<hbm>> -> memref<200x128xf32, #tpu.memory_space<hbm>>
        tpu.wait_dma2 semaphore(%run_scoped3A : memref<!tpu.dma_semaphore, #tpu.memory_space<semaphore_mem>>) src(%dma_wait3A_51 : memref<200x128xf32, #tpu.memory_space<hbm>>) dst(%dma_wait3A_48 : memref<200x128xf32, #tpu.memory_space<vmem>>)
        tpu.yield
      }) : () -> ()
      "tpu.region"() ({
        %run_scoped3A = tpu.sem_alloc : memref<!tpu.dma_semaphore, #tpu.memory_space<semaphore_mem>>
        %dma_start3A = arith.constant 0 : i32
        %dma_start3A_29 = arith.constant 0 : i32
        %dma_start3A_30 = tpu.memref_slice %arg7[%dma_start3A, %dma_start3A_29] : memref<800x128xf32, #tpu.memory_space<vmem>> -> memref<200x128xf32, #tpu.memory_space<vmem>>
        %dma_start3A_31 = arith.constant 0 : i32
        %dma_start3A_32 = arith.constant 0 : i32
        %dma_start3A_33 = tpu.memref_slice %arg8[%dma_start3A_31, %dma_start3A_32] : memref<400x128xf32, #tpu.memory_space<vmem_shared>> -> memref<200x128xf32, #tpu.memory_space<vmem_shared>>
        %dma_start3A_34 = arith.constant 0 : i32
        %dma_start3A_35 = arith.constant 0 : i32
        %dma_start3A_36 = tpu.memref_slice %arg8[%dma_start3A_34, %dma_start3A_35] : memref<400x128xf32, #tpu.memory_space<vmem_shared>> -> memref<200x128xf32, #tpu.memory_space<vmem_shared>>
        %dma_start3A_37 = arith.constant 0 : i32
        %dma_start3A_38 = arith.constant 0 : i32
        %dma_start3A_39 = tpu.memref_slice %arg7[%dma_start3A_37, %dma_start3A_38] : memref<800x128xf32, #tpu.memory_space<vmem>> -> memref<200x128xf32, #tpu.memory_space<vmem>>
        tpu.enqueue_dma source(%dma_start3A_39 : memref<200x128xf32, #tpu.memory_space<vmem>>) target(%dma_start3A_36 : memref<200x128xf32, #tpu.memory_space<vmem_shared>>) target_semaphore(%run_scoped3A : memref<!tpu.dma_semaphore, #tpu.memory_space<semaphore_mem>>)
        %dma_wait3A_40 = arith.constant 0 : i32
        %dma_wait3A_41 = arith.constant 0 : i32
        %dma_wait3A_42 = tpu.memref_slice %arg7[%dma_wait3A_40, %dma_wait3A_41] : memref<800x128xf32, #tpu.memory_space<vmem>> -> memref<200x128xf32, #tpu.memory_space<vmem>>
        %dma_wait3A_43 = arith.constant 0 : i32
        %dma_wait3A_44 = arith.constant 0 : i32
        %dma_wait3A_45 = tpu.memref_slice %arg8[%dma_wait3A_43, %dma_wait3A_44] : memref<400x128xf32, #tpu.memory_space<vmem_shared>> -> memref<200x128xf32, #tpu.memory_space<vmem_shared>>
        %dma_wait3A_46 = arith.constant 0 : i32
        %dma_wait3A_47 = arith.constant 0 : i32
        %dma_wait3A_48 = tpu.memref_slice %arg8[%dma_wait3A_46, %dma_wait3A_47] : memref<400x128xf32, #tpu.memory_space<vmem_shared>> -> memref<200x128xf32, #tpu.memory_space<vmem_shared>>
        %dma_wait3A_49 = arith.constant 0 : i32
        %dma_wait3A_50 = arith.constant 0 : i32
        %dma_wait3A_51 = tpu.memref_slice %arg7[%dma_wait3A_49, %dma_wait3A_50] : memref<800x128xf32, #tpu.memory_space<vmem>> -> memref<200x128xf32, #tpu.memory_space<vmem>>
        tpu.wait_dma2 semaphore(%run_scoped3A : memref<!tpu.dma_semaphore, #tpu.memory_space<semaphore_mem>>) src(%dma_wait3A_51 : memref<200x128xf32, #tpu.memory_space<vmem>>) dst(%dma_wait3A_48 : memref<200x128xf32, #tpu.memory_space<vmem_shared>>)
        tpu.yield
      }) : () -> ()
      "tpu.region"() ({
        %run_scoped3A = tpu.sem_alloc : memref<!tpu.dma_semaphore, #tpu.memory_space<semaphore_mem>>
        %dma_start3A = arith.constant 0 : i32
        %dma_start3A_29 = arith.constant 0 : i32
        %dma_start3A_30 = tpu.memref_slice %arg7[%dma_start3A, %dma_start3A_29] : memref<800x128xf32, #tpu.memory_space<vmem>> -> memref<200x128xf32, #tpu.memory_space<vmem>>
        %dma_start3A_31 = arith.constant 200 : i32
        %dma_start3A_32 = arith.constant 0 : i32
        %dma_start3A_33 = tpu.memref_slice %arg8[%dma_start3A_31, %dma_start3A_32] : memref<400x128xf32, #tpu.memory_space<vmem_shared>> -> memref<200x128xf32, #tpu.memory_space<vmem_shared>>
        %dma_start3A_34 = arith.constant 200 : i32
        %dma_start3A_35 = arith.constant 0 : i32
        %dma_start3A_36 = tpu.memref_slice %arg8[%dma_start3A_34, %dma_start3A_35] : memref<400x128xf32, #tpu.memory_space<vmem_shared>> -> memref<200x128xf32, #tpu.memory_space<vmem_shared>>
        %dma_start3A_37 = arith.constant 0 : i32
        %dma_start3A_38 = arith.constant 0 : i32
        %dma_start3A_39 = tpu.memref_slice %arg7[%dma_start3A_37, %dma_start3A_38] : memref<800x128xf32, #tpu.memory_space<vmem>> -> memref<200x128xf32, #tpu.memory_space<vmem>>
        tpu.enqueue_dma source(%dma_start3A_39 : memref<200x128xf32, #tpu.memory_space<vmem>>) target(%dma_start3A_36 : memref<200x128xf32, #tpu.memory_space<vmem_shared>>) target_semaphore(%run_scoped3A : memref<!tpu.dma_semaphore, #tpu.memory_space<semaphore_mem>>)
        %dma_wait3A_40 = arith.constant 0 : i32
        %dma_wait3A_41 = arith.constant 0 : i32
        %dma_wait3A_42 = tpu.memref_slice %arg7[%dma_wait3A_40, %dma_wait3A_41] : memref<800x128xf32, #tpu.memory_space<vmem>> -> memref<200x128xf32, #tpu.memory_space<vmem>>
        %dma_wait3A_43 = arith.constant 200 : i32
        %dma_wait3A_44 = arith.constant 0 : i32
        %dma_wait3A_45 = tpu.memref_slice %arg8[%dma_wait3A_43, %dma_wait3A_44] : memref<400x128xf32, #tpu.memory_space<vmem_shared>> -> memref<200x128xf32, #tpu.memory_space<vmem_shared>>
        %dma_wait3A_46 = arith.constant 200 : i32
        %dma_wait3A_47 = arith.constant 0 : i32
        %dma_wait3A_48 = tpu.memref_slice %arg8[%dma_wait3A_46, %dma_wait3A_47] : memref<400x128xf32, #tpu.memory_space<vmem_shared>> -> memref<200x128xf32, #tpu.memory_space<vmem_shared>>
        %dma_wait3A_49 = arith.constant 0 : i32
        %dma_wait3A_50 = arith.constant 0 : i32
        %dma_wait3A_51 = tpu.memref_slice %arg7[%dma_wait3A_49, %dma_wait3A_50] : memref<800x128xf32, #tpu.memory_space<vmem>> -> memref<200x128xf32, #tpu.memory_space<vmem>>
        tpu.wait_dma2 semaphore(%run_scoped3A : memref<!tpu.dma_semaphore, #tpu.memory_space<semaphore_mem>>) src(%dma_wait3A_51 : memref<200x128xf32, #tpu.memory_space<vmem>>) dst(%dma_wait3A_48 : memref<200x128xf32, #tpu.memory_space<vmem_shared>>)
        tpu.yield
      }) : () -> ()
    } else {
    }
    %barrier3A = arith.constant 0 : index
    tpu.barrier barrier_id(%barrier3A)
    %scan3A = arith.constant 0 : i32
    %scan3A_5 = arith.constant 0 : i32
    %scan3A_6 = arith.constant 16 : i32
    %scan3A_7 = arith.addi %scan3A_5, %scan3A_6 : i32
    %scan3A_8 = arith.constant 1 : i32
    scf.for %scan3A_29 = %scan3A_5 to %scan3A_7 step %scan3A_8  : i32 {
      %mul3A_30 = arith.constant 400 : i32
      %mul3A_31 = arith.muli %scan3A_29, %mul3A_30 : i32
      %and3A = arith.constant 1 : i32
      %and3A_32 = arith.andi %scan3A_29, %and3A : i32
      %mul3A_33 = arith.constant 400 : i32
      %mul3A_34 = arith.muli %and3A_32, %mul3A_33 : i32
      %ge3A = arith.constant 2 : i32
      %ge3A_35 = arith.cmpi sge, %scan3A_29, %ge3A : i32
      %convert_element_type3A_36 = arith.extui %ge3A_35 : i1 to i32
      %cond3A_37 = arith.constant 0 : i32
      %cond3A_38 = arith.cmpi ne, %convert_element_type3A_36, %cond3A_37 : i32
      scf.if %cond3A_38 {
        %dma_wait3A_127 = arith.constant 0 : i32
        %dma_wait3A_128 = tpu.memref_slice %arg7[%mul3A_34, %dma_wait3A_127] : memref<800x128xf32, #tpu.memory_space<vmem>> -> memref<400x128xf32, #tpu.memory_space<vmem>>
        %dma_wait3A_129 = arith.constant 0 : i32
        %dma_wait3A_130 = tpu.memref_slice %arg5[%mul3A_2, %dma_wait3A_129] : memref<204800x128xf32, #tpu.memory_space<hbm>> -> memref<400x128xf32, #tpu.memory_space<hbm>>
        %dma_wait3A_131 = arith.constant 0 : i32
        %dma_wait3A_132 = tpu.memref_slice %arg7[%mul3A_34, %dma_wait3A_131] : memref<800x128xf32, #tpu.memory_space<vmem>> -> memref<400x128xf32, #tpu.memory_space<vmem>>
        %dma_wait3A_133 = arith.constant 0 : i32
        %dma_wait3A_134 = tpu.memref_slice %arg5[%mul3A_2, %dma_wait3A_133] : memref<204800x128xf32, #tpu.memory_space<hbm>> -> memref<400x128xf32, #tpu.memory_space<hbm>>
        tpu.wait_dma2 semaphore(%arg10 : memref<!tpu.dma_semaphore, #tpu.memory_space<semaphore_mem>>) src(%dma_wait3A_134 : memref<400x128xf32, #tpu.memory_space<hbm>>) dst(%dma_wait3A_132 : memref<400x128xf32, #tpu.memory_space<vmem>>)
      } else {
      }
      "tpu.region"() ({
        %run_scoped3A = tpu.sem_alloc : memref<!tpu.dma_semaphore, #tpu.memory_space<semaphore_mem>>
        %dma_start3A_127 = arith.constant 0 : i32
        %dma_start3A_128 = tpu.memref_slice %arg7[%mul3A_34, %dma_start3A_127] : memref<800x128xf32, #tpu.memory_space<vmem>> -> memref<400x128xf32, #tpu.memory_space<vmem>>
        %dma_start3A_129 = arith.constant 0 : i32
        %dma_start3A_130 = tpu.memref_slice %arg7[%mul3A_34, %dma_start3A_129] : memref<800x128xf32, #tpu.memory_space<vmem>> -> memref<400x128xf32, #tpu.memory_space<vmem>>
        tpu.enqueue_dma source(%arg8 : memref<400x128xf32, #tpu.memory_space<vmem_shared>>) target(%dma_start3A_130 : memref<400x128xf32, #tpu.memory_space<vmem>>) target_semaphore(%run_scoped3A : memref<!tpu.dma_semaphore, #tpu.memory_space<semaphore_mem>>)
        %dma_wait3A_131 = arith.constant 0 : i32
        %dma_wait3A_132 = tpu.memref_slice %arg7[%mul3A_34, %dma_wait3A_131] : memref<800x128xf32, #tpu.memory_space<vmem>> -> memref<400x128xf32, #tpu.memory_space<vmem>>
        %dma_wait3A_133 = arith.constant 0 : i32
        %dma_wait3A_134 = tpu.memref_slice %arg7[%mul3A_34, %dma_wait3A_133] : memref<800x128xf32, #tpu.memory_space<vmem>> -> memref<400x128xf32, #tpu.memory_space<vmem>>
        tpu.wait_dma2 semaphore(%run_scoped3A : memref<!tpu.dma_semaphore, #tpu.memory_space<semaphore_mem>>) src(%arg8 : memref<400x128xf32, #tpu.memory_space<vmem_shared>>) dst(%dma_wait3A_134 : memref<400x128xf32, #tpu.memory_space<vmem>>)
        tpu.yield
      }) : () -> ()
      %add3A_39 = arith.constant 0 : i32
      %add3A_40 = arith.addi %mul3A_31, %add3A_39 : i32
      %dma_start3A = arith.constant 0 : i32
      %dma_start3A_41 = tpu.memref_slice %arg7[%mul3A_34, %dma_start3A] : memref<800x128xf32, #tpu.memory_space<vmem>> -> memref<400x128xf32, #tpu.memory_space<vmem>>
      %dma_start3A_42 = arith.constant 0 : i32
      %dma_start3A_43 = arith.constant 0 : i32
      %dma_start3A_44 = tpu.memref_slice %dma_start3A_41[%dma_start3A_42, %dma_start3A_43] : memref<400x128xf32, #tpu.memory_space<vmem>> -> memref<128x128xf32, #tpu.memory_space<vmem>>
      %dma_start3A_45 = tpu.memref_slice %arg6[%add3A_40] : memref<6400xi32, #tpu.memory_space<vmem>> -> memref<128xi32, #tpu.memory_space<vmem>>
      %dma_start3A_46 = arith.constant 0 : i32
      %dma_start3A_47 = arith.constant 0 : i32
      %dma_start3A_48 = tpu.memref_slice %arg3[%dma_start3A_46, %dma_start3A_47] : memref<1000000x128xf32, #tpu.memory_space<hbm>> -> memref<1000000x128xf32, #tpu.memory_space<hbm>>
      tpu.enqueue_indirect_dma source(%dma_start3A_48 : memref<1000000x128xf32, #tpu.memory_space<hbm>>) target(%dma_start3A_44 : memref<128x128xf32, #tpu.memory_space<vmem>>) offsets(%dma_start3A_45 : memref<128xi32, #tpu.memory_space<vmem>>) semaphore(%arg9 : memref<!tpu.dma_semaphore, #tpu.memory_space<semaphore_mem>>) {add = true}
      %add3A_49 = arith.constant 128 : i32
      %add3A_50 = arith.addi %mul3A_31, %add3A_49 : i32
      %dma_start3A_51 = arith.constant 0 : i32
      %dma_start3A_52 = tpu.memref_slice %arg7[%mul3A_34, %dma_start3A_51] : memref<800x128xf32, #tpu.memory_space<vmem>> -> memref<400x128xf32, #tpu.memory_space<vmem>>
      %dma_start3A_53 = arith.constant 128 : i32
      %dma_start3A_54 = arith.constant 0 : i32
      %dma_start3A_55 = tpu.memref_slice %dma_start3A_52[%dma_start3A_53, %dma_start3A_54] : memref<400x128xf32, #tpu.memory_space<vmem>> -> memref<128x128xf32, #tpu.memory_space<vmem>>
      %dma_start3A_56 = tpu.memref_slice %arg6[%add3A_50] : memref<6400xi32, #tpu.memory_space<vmem>> -> memref<128xi32, #tpu.memory_space<vmem>>
      %dma_start3A_57 = arith.constant 0 : i32
      %dma_start3A_58 = arith.constant 0 : i32
      %dma_start3A_59 = tpu.memref_slice %arg3[%dma_start3A_57, %dma_start3A_58] : memref<1000000x128xf32, #tpu.memory_space<hbm>> -> memref<1000000x128xf32, #tpu.memory_space<hbm>>
      tpu.enqueue_indirect_dma source(%dma_start3A_59 : memref<1000000x128xf32, #tpu.memory_space<hbm>>) target(%dma_start3A_55 : memref<128x128xf32, #tpu.memory_space<vmem>>) offsets(%dma_start3A_56 : memref<128xi32, #tpu.memory_space<vmem>>) semaphore(%arg9 : memref<!tpu.dma_semaphore, #tpu.memory_space<semaphore_mem>>) {add = true}
      %add3A_60 = arith.constant 256 : i32
      %add3A_61 = arith.addi %mul3A_31, %add3A_60 : i32
      %dma_start3A_62 = arith.constant 0 : i32
      %dma_start3A_63 = tpu.memref_slice %arg7[%mul3A_34, %dma_start3A_62] : memref<800x128xf32, #tpu.memory_space<vmem>> -> memref<400x128xf32, #tpu.memory_space<vmem>>
      %dma_start3A_64 = arith.constant 256 : i32
      %dma_start3A_65 = arith.constant 0 : i32
      %dma_start3A_66 = tpu.memref_slice %dma_start3A_63[%dma_start3A_64, %dma_start3A_65] : memref<400x128xf32, #tpu.memory_space<vmem>> -> memref<128x128xf32, #tpu.memory_space<vmem>>
      %dma_start3A_67 = tpu.memref_slice %arg6[%add3A_61] : memref<6400xi32, #tpu.memory_space<vmem>> -> memref<128xi32, #tpu.memory_space<vmem>>
      %dma_start3A_68 = arith.constant 0 : i32
      %dma_start3A_69 = arith.constant 0 : i32
      %dma_start3A_70 = tpu.memref_slice %arg3[%dma_start3A_68, %dma_start3A_69] : memref<1000000x128xf32, #tpu.memory_space<hbm>> -> memref<1000000x128xf32, #tpu.memory_space<hbm>>
      tpu.enqueue_indirect_dma source(%dma_start3A_70 : memref<1000000x128xf32, #tpu.memory_space<hbm>>) target(%dma_start3A_66 : memref<128x128xf32, #tpu.memory_space<vmem>>) offsets(%dma_start3A_67 : memref<128xi32, #tpu.memory_space<vmem>>) semaphore(%arg9 : memref<!tpu.dma_semaphore, #tpu.memory_space<semaphore_mem>>) {add = true}
      %add3A_71 = arith.constant 384 : i32
      %add3A_72 = arith.addi %mul3A_31, %add3A_71 : i32
      %dma_start3A_73 = arith.constant 0 : i32
      %dma_start3A_74 = tpu.memref_slice %arg7[%mul3A_34, %dma_start3A_73] : memref<800x128xf32, #tpu.memory_space<vmem>> -> memref<400x128xf32, #tpu.memory_space<vmem>>
      %dma_start3A_75 = arith.constant 384 : i32
      %dma_start3A_76 = arith.constant 0 : i32
      %dma_start3A_77 = tpu.memref_slice %dma_start3A_74[%dma_start3A_75, %dma_start3A_76] : memref<400x128xf32, #tpu.memory_space<vmem>> -> memref<16x128xf32, #tpu.memory_space<vmem>>
      %dma_start3A_78 = tpu.memref_slice %arg6[%add3A_72] : memref<6400xi32, #tpu.memory_space<vmem>> -> memref<16xi32, #tpu.memory_space<vmem>>
      %dma_start3A_79 = arith.constant 0 : i32
      %dma_start3A_80 = arith.constant 0 : i32
      %dma_start3A_81 = tpu.memref_slice %arg3[%dma_start3A_79, %dma_start3A_80] : memref<1000000x128xf32, #tpu.memory_space<hbm>> -> memref<1000000x128xf32, #tpu.memory_space<hbm>>
      tpu.enqueue_indirect_dma source(%dma_start3A_81 : memref<1000000x128xf32, #tpu.memory_space<hbm>>) target(%dma_start3A_77 : memref<16x128xf32, #tpu.memory_space<vmem>>) offsets(%dma_start3A_78 : memref<16xi32, #tpu.memory_space<vmem>>) semaphore(%arg9 : memref<!tpu.dma_semaphore, #tpu.memory_space<semaphore_mem>>) {add = true}
      %dma_wait3A_82 = arith.constant 0 : i32
      %dma_wait3A_83 = tpu.memref_slice %arg7[%mul3A_34, %dma_wait3A_82] : memref<800x128xf32, #tpu.memory_space<vmem>> -> memref<400x128xf32, #tpu.memory_space<vmem>>
      %dma_wait3A_84 = arith.constant 0 : i32
      %dma_wait3A_85 = arith.constant 0 : i32
      %dma_wait3A_86 = tpu.memref_slice %dma_wait3A_83[%dma_wait3A_84, %dma_wait3A_85] : memref<400x128xf32, #tpu.memory_space<vmem>> -> memref<128x128xf32, #tpu.memory_space<vmem>>
      %dma_wait3A_87 = tpu.memref_slice %arg6[%add3A_40] : memref<6400xi32, #tpu.memory_space<vmem>> -> memref<128xi32, #tpu.memory_space<vmem>>
      %dma_wait3A_88 = arith.constant 0 : i32
      %dma_wait3A_89 = arith.constant 0 : i32
      %dma_wait3A_90 = tpu.memref_slice %arg3[%dma_wait3A_88, %dma_wait3A_89] : memref<1000000x128xf32, #tpu.memory_space<hbm>> -> memref<1000000x128xf32, #tpu.memory_space<hbm>>
      tpu.wait_indirect_dma semaphore(%arg9 : memref<!tpu.dma_semaphore, #tpu.memory_space<semaphore_mem>>) src(%dma_wait3A_90 : memref<1000000x128xf32, #tpu.memory_space<hbm>>) dst(%dma_wait3A_86 : memref<128x128xf32, #tpu.memory_space<vmem>>)
      %dma_wait3A_91 = arith.constant 0 : i32
      %dma_wait3A_92 = tpu.memref_slice %arg7[%mul3A_34, %dma_wait3A_91] : memref<800x128xf32, #tpu.memory_space<vmem>> -> memref<400x128xf32, #tpu.memory_space<vmem>>
      %dma_wait3A_93 = arith.constant 128 : i32
      %dma_wait3A_94 = arith.constant 0 : i32
      %dma_wait3A_95 = tpu.memref_slice %dma_wait3A_92[%dma_wait3A_93, %dma_wait3A_94] : memref<400x128xf32, #tpu.memory_space<vmem>> -> memref<128x128xf32, #tpu.memory_space<vmem>>
      %dma_wait3A_96 = tpu.memref_slice %arg6[%add3A_50] : memref<6400xi32, #tpu.memory_space<vmem>> -> memref<128xi32, #tpu.memory_space<vmem>>
      %dma_wait3A_97 = arith.constant 0 : i32
      %dma_wait3A_98 = arith.constant 0 : i32
      %dma_wait3A_99 = tpu.memref_slice %arg3[%dma_wait3A_97, %dma_wait3A_98] : memref<1000000x128xf32, #tpu.memory_space<hbm>> -> memref<1000000x128xf32, #tpu.memory_space<hbm>>
      tpu.wait_indirect_dma semaphore(%arg9 : memref<!tpu.dma_semaphore, #tpu.memory_space<semaphore_mem>>) src(%dma_wait3A_99 : memref<1000000x128xf32, #tpu.memory_space<hbm>>) dst(%dma_wait3A_95 : memref<128x128xf32, #tpu.memory_space<vmem>>)
      %dma_wait3A_100 = arith.constant 0 : i32
      %dma_wait3A_101 = tpu.memref_slice %arg7[%mul3A_34, %dma_wait3A_100] : memref<800x128xf32, #tpu.memory_space<vmem>> -> memref<400x128xf32, #tpu.memory_space<vmem>>
      %dma_wait3A_102 = arith.constant 256 : i32
      %dma_wait3A_103 = arith.constant 0 : i32
      %dma_wait3A_104 = tpu.memref_slice %dma_wait3A_101[%dma_wait3A_102, %dma_wait3A_103] : memref<400x128xf32, #tpu.memory_space<vmem>> -> memref<128x128xf32, #tpu.memory_space<vmem>>
      %dma_wait3A_105 = tpu.memref_slice %arg6[%add3A_61] : memref<6400xi32, #tpu.memory_space<vmem>> -> memref<128xi32, #tpu.memory_space<vmem>>
      %dma_wait3A_106 = arith.constant 0 : i32
      %dma_wait3A_107 = arith.constant 0 : i32
      %dma_wait3A_108 = tpu.memref_slice %arg3[%dma_wait3A_106, %dma_wait3A_107] : memref<1000000x128xf32, #tpu.memory_space<hbm>> -> memref<1000000x128xf32, #tpu.memory_space<hbm>>
      tpu.wait_indirect_dma semaphore(%arg9 : memref<!tpu.dma_semaphore, #tpu.memory_space<semaphore_mem>>) src(%dma_wait3A_108 : memref<1000000x128xf32, #tpu.memory_space<hbm>>) dst(%dma_wait3A_104 : memref<128x128xf32, #tpu.memory_space<vmem>>)
      %dma_wait3A_109 = arith.constant 0 : i32
      %dma_wait3A_110 = tpu.memref_slice %arg7[%mul3A_34, %dma_wait3A_109] : memref<800x128xf32, #tpu.memory_space<vmem>> -> memref<400x128xf32, #tpu.memory_space<vmem>>
      %dma_wait3A_111 = arith.constant 384 : i32
      %dma_wait3A_112 = arith.constant 0 : i32
      %dma_wait3A_113 = tpu.memref_slice %dma_wait3A_110[%dma_wait3A_111, %dma_wait3A_112] : memref<400x128xf32, #tpu.memory_space<vmem>> -> memref<16x128xf32, #tpu.memory_space<vmem>>
      %dma_wait3A_114 = tpu.memref_slice %arg6[%add3A_72] : memref<6400xi32, #tpu.memory_space<vmem>> -> memref<16xi32, #tpu.memory_space<vmem>>
      %dma_wait3A_115 = arith.constant 0 : i32
      %dma_wait3A_116 = arith.constant 0 : i32
      %dma_wait3A_117 = tpu.memref_slice %arg3[%dma_wait3A_115, %dma_wait3A_116] : memref<1000000x128xf32, #tpu.memory_space<hbm>> -> memref<1000000x128xf32, #tpu.memory_space<hbm>>
      tpu.wait_indirect_dma semaphore(%arg9 : memref<!tpu.dma_semaphore, #tpu.memory_space<semaphore_mem>>) src(%dma_wait3A_117 : memref<1000000x128xf32, #tpu.memory_space<hbm>>) dst(%dma_wait3A_113 : memref<16x128xf32, #tpu.memory_space<vmem>>)
      %add3A_118 = arith.addi %mul3A_2, %mul3A_31 : i32
      %dma_start3A_119 = arith.constant 0 : i32
      %dma_start3A_120 = tpu.memref_slice %arg7[%mul3A_34, %dma_start3A_119] : memref<800x128xf32, #tpu.memory_space<vmem>> -> memref<400x128xf32, #tpu.memory_space<vmem>>
      %dma_start3A_121 = arith.constant 0 : i32
      %dma_start3A_122 = tpu.memref_slice %arg5[%add3A_118, %dma_start3A_121] : memref<204800x128xf32, #tpu.memory_space<hbm>> -> memref<400x128xf32, #tpu.memory_space<hbm>>
      %dma_start3A_123 = arith.constant 0 : i32
      %dma_start3A_124 = tpu.memref_slice %arg5[%add3A_118, %dma_start3A_123] : memref<204800x128xf32, #tpu.memory_space<hbm>> -> memref<400x128xf32, #tpu.memory_space<hbm>>
      %dma_start3A_125 = arith.constant 0 : i32
      %dma_start3A_126 = tpu.memref_slice %arg7[%mul3A_34, %dma_start3A_125] : memref<800x128xf32, #tpu.memory_space<vmem>> -> memref<400x128xf32, #tpu.memory_space<vmem>>
      tpu.enqueue_dma source(%dma_start3A_126 : memref<400x128xf32, #tpu.memory_space<vmem>>) target(%dma_start3A_124 : memref<400x128xf32, #tpu.memory_space<hbm>>) target_semaphore(%arg10 : memref<!tpu.dma_semaphore, #tpu.memory_space<semaphore_mem>>)
    }
    %scan3A_9 = arith.constant 16 : i32
    %dma_wait3A = arith.constant 0 : i32
    %dma_wait3A_10 = arith.constant 0 : i32
    %dma_wait3A_11 = tpu.memref_slice %arg7[%dma_wait3A, %dma_wait3A_10] : memref<800x128xf32, #tpu.memory_space<vmem>> -> memref<400x128xf32, #tpu.memory_space<vmem>>
    %dma_wait3A_12 = arith.constant 0 : i32
    %dma_wait3A_13 = tpu.memref_slice %arg5[%mul3A_2, %dma_wait3A_12] : memref<204800x128xf32, #tpu.memory_space<hbm>> -> memref<400x128xf32, #tpu.memory_space<hbm>>
    %dma_wait3A_14 = arith.constant 0 : i32
    %dma_wait3A_15 = arith.constant 0 : i32
    %dma_wait3A_16 = tpu.memref_slice %arg7[%dma_wait3A_14, %dma_wait3A_15] : memref<800x128xf32, #tpu.memory_space<vmem>> -> memref<400x128xf32, #tpu.memory_space<vmem>>
    %dma_wait3A_17 = arith.constant 0 : i32
    %dma_wait3A_18 = tpu.memref_slice %arg5[%mul3A_2, %dma_wait3A_17] : memref<204800x128xf32, #tpu.memory_space<hbm>> -> memref<400x128xf32, #tpu.memory_space<hbm>>
    tpu.wait_dma2 semaphore(%arg10 : memref<!tpu.dma_semaphore, #tpu.memory_space<semaphore_mem>>) src(%dma_wait3A_18 : memref<400x128xf32, #tpu.memory_space<hbm>>) dst(%dma_wait3A_16 : memref<400x128xf32, #tpu.memory_space<vmem>>)
    %dma_wait3A_19 = arith.constant 0 : i32
    %dma_wait3A_20 = arith.constant 0 : i32
    %dma_wait3A_21 = tpu.memref_slice %arg7[%dma_wait3A_19, %dma_wait3A_20] : memref<800x128xf32, #tpu.memory_space<vmem>> -> memref<400x128xf32, #tpu.memory_space<vmem>>
    %dma_wait3A_22 = arith.constant 0 : i32
    %dma_wait3A_23 = tpu.memref_slice %arg5[%mul3A_2, %dma_wait3A_22] : memref<204800x128xf32, #tpu.memory_space<hbm>> -> memref<400x128xf32, #tpu.memory_space<hbm>>
    %dma_wait3A_24 = arith.constant 0 : i32
    %dma_wait3A_25 = arith.constant 0 : i32
    %dma_wait3A_26 = tpu.memref_slice %arg7[%dma_wait3A_24, %dma_wait3A_25] : memref<800x128xf32, #tpu.memory_space<vmem>> -> memref<400x128xf32, #tpu.memory_space<vmem>>
    %dma_wait3A_27 = arith.constant 0 : i32
    %dma_wait3A_28 = tpu.memref_slice %arg5[%mul3A_2, %dma_wait3A_27] : memref<204800x128xf32, #tpu.memory_space<hbm>> -> memref<400x128xf32, #tpu.memory_space<hbm>>
    tpu.wait_dma2 semaphore(%arg10 : memref<!tpu.dma_semaphore, #tpu.memory_space<semaphore_mem>>) src(%dma_wait3A_28 : memref<400x128xf32, #tpu.memory_space<hbm>>) dst(%dma_wait3A_26 : memref<400x128xf32, #tpu.memory_space<vmem>>)
    return
  }
}

module attributes {stable_mosaic.version = 14 : i64} {
  func.func @body(%arg0: i32, %arg1: memref<64x7936xf32, #tpu.memory_space<vmem>>, %arg2: memref<7936x128xf32, #tpu.memory_space<vmem>>) attributes {dimension_semantics = [#tpu.dimension_semantics<arbitrary>], iteration_bounds = array<i64: 127>, scalar_prefetch = 0 : i64, scratch_operands = 0 : i64, tpu.core_type = #tpu.core_type<tc>, window_params = [{transform_indices = @transform_0, window_bounds = array<i64: 64, 7936>}, {transform_indices = @transform_1, window_bounds = array<i64: 7936, 128>}]} {
    %get3A = arith.constant 0 : index
    %get3A_0 = arith.constant 0 : index
    %get3A_1 = vector.load %arg1[%get3A, %get3A_0] : memref<64x7936xf32, #tpu.memory_space<vmem>>, vector<64x7936xf32>
    %transpose3A = tpu.transpose %get3A_1, [1, 0] : vector<64x7936xf32> -> vector<7936x64xf32>
    %swap3A = arith.constant 0 : index
    %swap3A_2 = arith.constant 0 : index
    %swap3A_3 = vector.load %arg2[%swap3A, %swap3A_2] : memref<7936x128xf32, #tpu.memory_space<vmem>>, vector<7936x64xf32>
    tpu.vector_store %arg2[%swap3A, %swap3A_2], %transpose3A {strides = array<i32>} : memref<7936x128xf32, #tpu.memory_space<vmem>>, vector<7936x64xf32>,
    %broadcast_in_dim3A = arith.constant 0.000000e+00 : f32
    %broadcast_in_dim3A_4 = vector.broadcast %broadcast_in_dim3A : f32 to vector<7936x64xf32>
    %swap3A_5 = arith.constant 0 : index
    %swap3A_6 = arith.constant 64 : index
    %swap3A_7 = vector.load %arg2[%swap3A_5, %swap3A_6] : memref<7936x128xf32, #tpu.memory_space<vmem>>, vector<7936x64xf32>
    tpu.vector_store %arg2[%swap3A_5, %swap3A_6], %broadcast_in_dim3A_4 {strides = array<i32>} : memref<7936x128xf32, #tpu.memory_space<vmem>>, vector<7936x64xf32>,
    return
  }
  func.func @transform_0(%arg0: i32) -> (i32, i32) {
    %c0_i32 = arith.constant 0 : i32
    %c0_i32_0 = arith.constant 0 : i32
    return %c0_i32, %arg0 : i32, i32
  }
  func.func @transform_1(%arg0: i32) -> (i32, i32) {
    %c0_i32 = arith.constant 0 : i32
    %c0_i32_0 = arith.constant 0 : i32
    return %arg0, %c0_i32 : i32, i32
  }
}

</mosaic_0001>

<sc_bundles>
// kernel: kernel.4.cloned.1.call-start
scs
__scs_entry_jumppad:
0x0: {  	(pc) =	sbr.rel $0x88, $3  }
0x1: {  	(tag) =	ssettag $0x0;
	lr =	simm.s32 $0x1  }
0x2: {  	[smem:$0x3F9E] =	sst lr;
	_ =	strace $0xD0000000  }
0x3: {  	_ = 	snop  }
0x4: {  	_ = 	snop  }
0x5: {  	_ = 	snop  }
0x6: {  	_ = 	snop  }
0x7: {  	_ = 	snop  }
__scs_overlays_trampoline_lowered:
0x8: {  	[smem:$0x3FAD] =	sst s0  }
0x9: {  	[smem:$0x3FAE] =	sst s1  }
0xa: {  	[smem:$0x3FAF] =	sst s2  }
0xb: {  	[smem:$0x3FB0] =	sst s3  }
0xc: {  	[smem:$0x3FB1] =	sst s4  }
0xd: {  	[smem:$0x3FB2] =	sst s5  }
0xe: {  	[smem:$0x3FB3] =	sst s6  }
0xf: {  	[smem:$0x3FB4] =	sst s7  }
0x10: {  	[smem:$0x3FB5] =	sst s8  }
0x11: {  	[smem:$0x3FB6] =	sst s9;
	s0 =	simm.s32 @!p0 $0x0  }
0x12: {  	s1 =	sld [smem:$0x3F9C];
	s0 =	simm.s32 @p0 $0x1  }
0x13: {  	[smem:$0x3FB7] =	sst s0;
	s0 =	simm.s32 @!p1 $0x0  }
0x14: {  	s2 =	sld [smem:$0x3F9B];
	s0 =	simm.s32 @p1 $0x1  }
0x15: {  	[smem:$0x3FB8] =	sst s0;
	s0 =	simm.s32 @!p2 $0x0  }
0x16: {  	s3 =	sld [smem:$0x3FDB];
	s0 =	simm.s32 @p2 $0x1  }
0x17: {  	s4 =	simm.s32 $0x1BF5;
	[smem:$0x3FBA] =	sst s0  }
0x18: {  	s0 =	sld [smem:$0x3F9D];
	_ =	swait.ge [sflag:s4], $0x0  }
0x19: {  	s7 =	sld [smem:$0x3F9E]  }
0x1a: {  	s8 =	sadd.s32 $0xFFFFE003, lr  }
0x1b: {  	s9 =	sadd.s32 $0xFFFFFEF7, lr;
	s5 =	simm.s32 $0xFFFFFFFF;
	p2 =	slt.u32 s8, $0xFFFFF086  }
0x1c: {  	p1 =	slt.u32 s9, $0xF7A;
	s5 =	simm.s32 @!p2 $0x0  }
0x1d: {  	s5 =	simm.s32 @p1 $0x1;
	p0 =	seq.s32 s7, s2  }
0x1e: {  	s7 =	smul.u32 @!p0 $0xF7A, s2;
	p2 =	seq.s32 @!p0 s5, $0x0  }
0x1f: {  	s9 =	smul.u32 $0xF7A, s1;
	s8 =	simm.s32 @!p0 $0x1BF5;
	p2 =	por !p2, p0  }
0x20: {  	[sflag:s8] =	ssyncset.s32 @!p0 $0xFFFFF086;
	s6 =	sadd.s32 @!p0 s3, s7;
	s7 =	simm.s32 @!p0 $0x108  }
0x21: {  	s3 =	sadd.s32 s3, s9;
	s6 =	sadd.s32 @!p0 $0x88, s6;
	s7 =	simm.s32 @p2 $0x1082  }
0x22: {  	[simem:s7], [sflag:s8] =	dma.local @!p0 [hbm:s6], $0xF7A  }
0x23: {  	s9 =	sor.u32 $0xD0000000, s2;
	s6 =	simm.s32 $0x108;
	_ =	swait.ge @!p0 [sflag:s8], $0x0  }
0x24: {  	s3 =	sadd.s32 $0x88, s3;
	s6 =	simm.s32 @!p1 $0x1082;
	[sflag:s4] =	ssyncset.s32 $0xFFFFF086  }
0x25: {  	[simem:s6], [sflag:s4] =	dma.local [hbm:s3], $0xF7A  }
0x26: {  	[smem:$0x3F9E] =	sst s1;
	(tag) =	ssettag s2;
	_ =	strace s9  }
0x27: {  	s1 =	sld [smem:$0x3FAE]  }
0x28: {  	s2 =	sld [smem:$0x3FAF]  }
0x29: {  	s4 =	sld [smem:$0x3FB1]  }
0x2a: {  	p0 =	seq.s32 s5, $0x0;
	s5 =	sld [smem:$0x3FB2]  }
0x2b: {  	s6 =	sld [smem:$0x3FB3]  }
0x2c: {  	s7 =	sld [smem:$0x3FB4]  }
0x2d: {  	s3 =	simm.s32 $0x108;
	s8 =	sld [smem:$0x3FB5]  }
0x2e: {  	s3 =	simm.s32 @!p0 $0x1082;
	s9 =	sld [smem:$0x3FB6]  }
0x2f: {  	lr =	sadd.s32 s0, s3;
	s0 =	sld [smem:$0x3FAD]  }
0x30: {  	s3 =	sld [smem:$0x3FB0]  }
0x31: {  	[smem:$0x3FB9] =	sst s10  }
0x32: {  	s10 =	sld [smem:$0x3FB7];
	_ =	sdelay $0x3  }
0x33: {  	p0 =	seq.s32 s10, $0x1;
	s10 =	sld [smem:$0x3FB9];
	_ =	sdelay $0x3  }
0x34: {  	[smem:$0x3FB9] =	sst s10  }
0x35: {  	s10 =	sld [smem:$0x3FB8];
	_ =	sdelay $0x3  }
0x36: {  	p1 =	seq.s32 s10, $0x1;
	s10 =	sld [smem:$0x3FB9];
	_ =	sdelay $0x3  }
0x37: {  	[smem:$0x3FB9] =	sst s10  }
0x38: {  	s10 =	sld [smem:$0x3FBA]  }
0x39: {  	_ = 	snop;
	(pc) =	sbr.ind lr, $3  }
0x3a: {  	_ = 	snop  }
0x3b: {  	_ = 	snop  }
0x3c: {  	p2 =	seq.s32 s10, $0x1;
	s10 =	sld [smem:$0x3FB9]  }
0x3d: {  	_ =	shalt  }
0x3e: {  	_ =	shalt  }
0x3f: {  	_ =	shalt  }
0x40: {  	_ =	shalt  }
0x41: {  	_ =	shalt  }
0x42: {  	_ =	shalt  }
0x43: {  	_ =	shalt  }
0x44: {  	_ =	shalt  }
0x45: {  	_ =	shalt  }
0x46: {  	_ =	shalt  }
0x47: {  	_ =	shalt  }
0x48: {  	_ =	shalt  }
0x49: {  	_ =	shalt  }
0x4a: {  	_ =	shalt  }
0x4b: {  	_ =	shalt  }
0x4c: {  	_ =	shalt  }
0x4d: {  	_ =	shalt  }
0x4e: {  	_ =	shalt  }
0x4f: {  	_ =	shalt  }
0x50: {  	_ =	shalt  }
0x51: {  	_ =	shalt  }
0x52: {  	_ =	shalt  }
0x53: {  	_ =	shalt  }
0x54: {  	_ =	shalt  }
0x55: {  	_ =	shalt  }
0x56: {  	_ =	shalt  }
0x57: {  	_ =	shalt  }
0x58: {  	_ =	shalt  }
0x59: {  	_ =	shalt  }
0x5a: {  	_ =	shalt  }
0x5b: {  	_ =	shalt  }
0x5c: {  	_ =	shalt  }
0x5d: {  	_ =	shalt  }
0x5e: {  	_ =	shalt  }
0x5f: {  	_ =	shalt  }
0x60: {  	_ =	shalt  }
0x61: {  	_ =	shalt  }
0x62: {  	_ =	shalt  }
0x63: {  	_ =	shalt  }
0x64: {  	_ =	shalt  }
0x65: {  	_ =	shalt  }
0x66: {  	_ =	shalt  }
0x67: {  	_ =	shalt  }
0x68: {  	_ =	shalt  }
0x69: {  	_ =	shalt  }
0x6a: {  	_ =	shalt  }
0x6b: {  	_ =	shalt  }
0x6c: {  	_ =	shalt  }
0x6d: {  	_ =	shalt  }
0x6e: {  	_ =	shalt  }
0x6f: {  	_ =	shalt  }
0x70: {  	_ =	shalt  }
0x71: {  	_ =	shalt  }
0x72: {  	_ =	shalt  }
0x73: {  	_ =	shalt  }
0x74: {  	_ =	shalt  }
0x75: {  	_ =	shalt  }
0x76: {  	_ =	shalt  }
0x77: {  	_ =	shalt  }
0x78: {  	_ =	shalt  }
0x79: {  	_ =	shalt  }
0x7a: {  	_ =	shalt  }
0x7b: {  	_ =	shalt  }
0x7c: {  	_ =	shalt  }
0x7d: {  	_ =	shalt  }
0x7e: {  	_ =	shalt  }
0x7f: {  	_ =	shalt  }
0x80: {  	_ =	shalt  }
0x81: {  	_ =	shalt  }
0x82: {  	_ =	shalt  }
0x83: {  	_ =	shalt  }
0x84: {  	_ =	shalt  }
0x85: {  	_ =	shalt  }
0x86: {  	_ =	shalt  }
0x87: {  	_ =	shalt  }
.Lfunc_end0:
.L_simem_size_0:
called_computation.1_lowered:
.L_overlay_start_0:
0x88: {  	s2 =	sld [smem:$0x3FD9]  }
0x89: {  	s3 =	sld [smem:$0x3FFE];
	_ =	sdelay $0x1  }
0x8a: {  	s1 =	srdreg.scid  }
0x8b: {  	s0 =	sand.u32 $0x1, s1  }
0x8c: {  	s17 =	sshll.u32 s0, $0xA;
	s2 =	sadd.s32 s3, s2  }
0x8d: {  	s2 =	sadd.s32 s2, s17  }
0x8e: {  	[smem:$0x3FC5] =	sst s2  }
0x8f: {  	_ = 	snop  }
0x90: {  	s2 =	sld [smem:$0x3FD0];
	(tm) =	ssettm $0x1  }
0x91: {  	s18 =	sld [smem:$0x3FFB];
	_ =	sdelay $0x3  }
0x92: {  	_ =	strace s18  }
0x93: {  	s3 =	sld [smem:$0x3FFC];
	_ =	sdelay $0x3  }
0x94: {  	_ =	strace s3  }
0x95: {  	s3 =	sld [smem:$0x3FFD];
	_ =	sdelay $0x3  }
0x96: {  	_ =	strace s3  }
0x97: {  	_ =	strace $0x8FFFFFFF  }
0x98: {  	s19 =	sld [smem:$0x3FDB];
	_ =	sdelay $0x1  }
0x99: {  	s4 =	simm.s32 $_scs_section_size  }
0x9a: {  	s5 =	simm.s32 $_size__tile_overlayer_lowered;
	s6 =	simm.s32 $_tile_overlayer_lowered  }
0x9b: {  	s22 =	simm.s32 $0x1BFF;
	s21 =	sshll.u32 s6, $0x1;
	s3 =	sadd.s32 s4, s19  }
0x9c: {  	s7 =	simm.s32 $0x0;
	s20 =	sshll.u32 s5, $0x1;
	s5 =	sadd.s32 s21, s3  }
0x9d: {  	[timem:s7], [sflag:s22] =	dma.local [hbm:s5], s20  }
0x9e: {  	_ =	swait.ge [sflag:s22], s20  }
0x9f: {  	s4 =	ssub.s32 $0x0, s20;
	[sflag:s22] =	ssyncset.done $0x0  }
0xa0: {  	[sflag:s22] =	ssyncadd.s32 s4;
	_ =	sdelay $0x1  }
0xa1: {  	s23 =	simm.s32 $0x1B8B  }
0xa2: {  	_ =	swait.ge [sflag:s23], $0x1  }
0xa3: {  	[sflag:s23] =	ssyncset.done $0x0  }
0xa4: {  	s25 =	simm.s32 $0x1B8E;
	s24 =	sld [smem:$0x3FFE];
	[sflag:s23] =	ssyncadd.s32 $0xFFFFFFFF  }
0xa5: {  	s26 =	simm.s32 $execute0_lowered;
	[smem:$0x3FD2] =	sst s25  }
0xa6: {  	s5 =	sshll.u32 s26, $0x1;
	_ =	strace $0x80000046;
	[dreg:$0x1] =	wrdreg $0xFFFFFFFF  }
0xa7: {  	s28 =	simm.s32 $_size_execute0_lowered;
	s3 =	sadd.s32 s3, s5;
	[dreg:$0x0] =	wrdreg $0x0  }
0xa8: {  	s5 =	sshll.u32 s28, $0x1;
	[dreg:$0x2] =	wrdreg s3  }
0xa9: {  	[dreg:$0x3] =	wrdreg s5  }
0xaa: {  	[dreg:$0x4] =	wrdreg $0xC0  }
0xab: {  	_ =	task [dreg:s7], $0x5FFFF  }
0xac: {  	[dreg:$0x1] =	wrdreg $0xFFFFFFFF  }
0xad: {  	[dreg:$0x0] =	wrdreg $0x60  }
0xae: {  	[dreg:$0x2] =	wrdreg s2  }
0xaf: {  	[dreg:$0x3] =	wrdreg s24  }
0xb0: {  	[dreg:$0x4] =	wrdreg $0x1A9000  }
0xb1: {  	[dreg:$0x5] =	wrdreg $0x9  }
0xb2: {  	_ =	task.clear_ibuf [dreg:s7], $0x6FFFF;
	_ =	strace $0x90000046  }
0xb3: {  	s29 =	simm.s32 $0x9;
	_ =	strace $0x80000048  }
0xb4: {  	_ =	swait.ge [sflag:s29], $0x1  }
0xb5: {  	[sflag:s29] =	ssyncadd.s32 $0xFFFFFFFF  }
0xb6: {  	_ =	strace $0x90000048  }
0xb7: {  	_ =	sfence  }
0xb8: {  	s30 =	sld [smem:$0x0];
	_ =	sdelay $0x2  }
0xb9: {  	s31 =	sshll.u32 s1, $0xD;
	s1 =	sshrl.u32 s1, $0x2  }
0xba: {  	s3 =	sand.u32 $0x4000, s31;
	s1 =	sadd.s32 s1, s30  }
0xbb: {  	s0 =	sor.u32 s3, s0;
	s1 =	sshll.u32 s1, $0x11  }
0xbc: {  	s0 =	sor.u32 s1, s0  }
0xbd: {  	s0 =	sadd.s32 $0x8F2B, s0  }
0xbe: {  	[sflag:s0] =	ssyncadd.remote.s32 $0x1  }
0xbf: {  	_ =	sfence.sel $0xFFFF  }
0xc0: {  	[dreg:$0x0] =	wrdreg $0xFFFFFFFF;
	(pc) =	sbr.abs _section_cstart, $3  }
0xc1: {  	[dreg:$0x1] =	wrdreg $0xFFFFFFFF  }
0xc2: {  	_ =	task.clear_ibuf [dreg:s7], $0x2FFFF;
	_ =	strace $0x9FFFFFFF  }
0xc3: {  	(tm) =	ssettm $0x7FFFFFFF  }
tec
execute0_lowered:
.L_overlay_start_1:
0x0: {  	(tag) =	ssettag $0x1  }
0x1: {  	s0 =	rddreg [dreg:$0x0]  }
0x2: {  	s5 =	rddreg [dreg:$0x1]  }
0x3: {  	s1 =	rddreg [dreg:$0x2]  }
0x4: {  	s3 =	srdreg.scid;
	s10 =	stileid.u32  }
0x5: {  	s2 =	simm.s32 $0x0;
	s17 =	simm.s32 $0x10;
	s20 =	simm.s32 $0x1  }
0x6: {  	s21 =	simm.s32 $0xE100;
	s28 =	simm.s32 $0x310;
	s29 =	simm.s32 $0x1A100  }
0x7: {  	s30 =	simm.s32 $0x2;
	s31 =	simm.s32 $0x0;
	s6 =	sand.u32 $0x1, s3  }
0x8: {  	s24 =	sshll.u32 s10, $0x1;
	[smem:$0x7FF] =	sst s2;
	s3 =	sadd.s32 $0x1800, s5  }
0x9: {  	s4 =	sadd.s32 $0xA00, s5;
	s9 =	sadd.s32 $0xF43C00, s5;
	s11 =	smul.u32 $0x32000, s10  }
0xa: {  	p0 =	sne.s32 s10, $0x0;
	s7 =	sor.u32 s6, s24;
	s13 =	smul.u32 $0x19000, s6  }
0xb: {  	_ =	strace $0x80000047;
	s25 =	ssub.s32 $0x2, s6;
	s8 =	smul.u32 $0x1900, s7  }
0xc: {  	s6 =	sadd.s32 $0x6400, s1;
	s7 =	smul.u32 $0x19000, s7;
	s12 =	sshrl.u32 s25, $0x1  }
0xd: {  	s26 =	sadd.s32 s11, s9;
	s11 =	simm.s32 $0x3;
	s8 =	sshrl.u32 s8, $0x3  }
0xe: {  	s12 =	ssub.s32 s25, s12;
	s7 =	sadd.s32 s9, s7;
	s5 =	sadd.s32 s0, s8  }
0xf: {  	s0 =	sadd.s32 s13, s26;
	s8 =	smax.u32 s12, $0x1;
	s9 =	sadd.s32 $0x1900, s7  }
0x10: {  	s12 =	simm.s32 $0x1900;
	s13 =	simm.s32 $0x80;
	s22 =	sadd.s32 $0x3200, s0  }
.LBB2_1:
0x11: {  	[tilespmem:s2], [sflag:$0x3] =	stream.linear.gather [hbm4b:s5+s2], $0x1900, $0x38;
	[tilespmem:$0x1B580] =	vst v63  }
0x12: {  	_ =	swait.ge [sflag:s11], $0x1900  }
0x13: {  	[sflag:s11] =	ssyncset.done $0x0  }
0x14: {  	s0 =	simm.s32 @!p0 $0x0;
	s10 =	simm.s32 @!p0 $0x1900;
	[sflag:s11] =	ssyncadd.s32 $0xFFFFE700  }
0x15: {  	[tilespmem:s10], [sflag:$0x3] =	stream.linear.gather @!p0 [hbm4b:s4+s0], $0x6400, $0x38;
	[tilespmem:$0x1B580] =	vst v63  }
0x16: {  	s0 =	simm.s32 @!p0 $0x3  }
0x17: {  	_ =	swait.ge @!p0 [sflag:s0], $0x6400  }
0x18: {  	[sflag:s0] =	ssyncset.done @!p0 $0x0  }
0x19: {  	[sflag:s0] =	ssyncadd.s32 @!p0 $0xFFFF9C00  }
0x1a: {  	[spmem:s1] =	stream.linear.scatter @!p0 [tilespmem:s10], [sflag:$0x3], $0x6400, $0x38;
	[tilespmem:$0x1B580] =	vst v63  }
0x1b: {  	_ =	swait.ge @!p0 [sflag:s0], $0x6400  }
0x1c: {  	[sflag:s0] =	ssyncset.done @!p0 $0x0  }
0x1d: {  	[sflag:s0] =	ssyncadd.s32 @!p0 $0xFFFF9C00  }
0x1e: {  	[spmem:s6] =	stream.linear.scatter @!p0 [tilespmem:s10], [sflag:$0x3], $0x6400, $0x38;
	[tilespmem:$0x1B580] =	vst v63  }
0x1f: {  	_ =	swait.ge @!p0 [sflag:s0], $0x6400  }
0x20: {  	[sflag:s0] =	ssyncset.done @!p0 $0x0  }
0x21: {  	[sflag:s0] =	ssyncadd.s32 @!p0 $0xFFFF9C00  }
0x22: {  	[bflag:$0x0] =	sbarrier.arrive $0xFFFF  }
0x23: {  	[tilespmem:s12], [sflag:$0x3] =	stream.linear.gather [spmem:s1], $0xC800, $0x38;
	[tilespmem:$0x1B580] =	vst v63  }
0x24: {  	_ =	swait.ge [sflag:s11], $0xC800  }
0x25: {  	[sflag:s11] =	ssyncset.done $0x0  }
0x26: {  	[sflag:s11] =	ssyncadd.s32 $0xFFFF3800  }
0x27: {  	[tilespmem:s12], [sflag:$0x1] =	stream.indirect.gather.add.f32 [hbm:s3], $0x80, s2, s13, $0xb8;
	[tilespmem:$0x1B580] =	vst v63  }
0x28: {  	s15 =	simm.s32 $0x5900  }
0x29: {  	[tilespmem:s15], [sflag:$0x1] =	stream.indirect.gather.add.f32 [hbm:s3], $0x80, s13, s13, $0xb8;
	[tilespmem:$0x1B580] =	vst v63  }
0x2a: {  	s16 =	simm.s32 $0x100;
	s18 =	simm.s32 $0x9900  }
0x2b: {  	[tilespmem:s18], [sflag:$0x1] =	stream.indirect.gather.add.f32 [hbm:s3], $0x80, s16, s13, $0xb8;
	[tilespmem:$0x1B580] =	vst v63  }
0x2c: {  	s19 =	simm.s32 $0x180;
	s23 =	simm.s32 $0xD900  }
0x2d: {  	[tilespmem:s23], [sflag:$0x1] =	stream.indirect.gather.add.f32 [hbm:s3], $0x80, s19, s17, $0xb8;
	[tilespmem:$0x1B580] =	vst v63  }
0x2e: {  	_ =	swait.ge [sflag:s20], $0x4000  }
0x2f: {  	[sflag:s20] =	ssyncset.done $0x0  }
0x30: {  	[sflag:s20] =	ssyncadd.s32 $0xFFFFC000  }
0x31: {  	_ =	swait.ge [sflag:s20], $0x4000  }
0x32: {  	[sflag:s20] =	ssyncset.done $0x0  }
0x33: {  	[sflag:s20] =	ssyncadd.s32 $0xFFFFC000  }
0x34: {  	_ =	swait.ge [sflag:s20], $0x4000  }
0x35: {  	[sflag:s20] =	ssyncset.done $0x0  }
0x36: {  	[sflag:s20] =	ssyncadd.s32 $0xFFFFC000  }
0x37: {  	_ =	swait.ge [sflag:s20], $0x800  }
0x38: {  	[sflag:s20] =	ssyncset.done $0x0  }
0x39: {  	[sflag:s20] =	ssyncadd.s32 $0xFFFFF800  }
0x3a: {  	[hbm4b:s7+s2] =	stream.linear.scatter [tilespmem:s12], [sflag:$0x2], $0xC800, $0x38;
	[tilespmem:$0x1B580] =	vst v63  }
0x3b: {  	_ = 	snop  }
0x3c: {  	[tilespmem:s21], [sflag:$0x3] =	stream.linear.gather [spmem:s1], $0xC800, $0x38;
	[tilespmem:$0x1B580] =	vst v63  }
0x3d: {  	_ =	swait.ge [sflag:s11], $0xC800  }
0x3e: {  	[sflag:s11] =	ssyncset.done $0x0  }
0x3f: {  	s24 =	simm.s32 $0x190;
	[sflag:s11] =	ssyncadd.s32 $0xFFFF3800  }
0x40: {  	[tilespmem:s21], [sflag:$0x1] =	stream.indirect.gather.add.f32 [hbm:s3], $0x80, s24, s13, $0xb8;
	[tilespmem:$0x1B580] =	vst v63  }
0x41: {  	s25 =	simm.s32 $0x210;
	s26 =	simm.s32 $0x12100  }
0x42: {  	[tilespmem:s26], [sflag:$0x1] =	stream.indirect.gather.add.f32 [hbm:s3], $0x80, s25, s13, $0xb8;
	[tilespmem:$0x1B580] =	vst v63  }
0x43: {  	s14 =	simm.s32 $0x290;
	s15 =	simm.s32 $0x16100  }
0x44: {  	[tilespmem:s15], [sflag:$0x1] =	stream.indirect.gather.add.f32 [hbm:s3], $0x80, s14, s13, $0xb8;
	[tilespmem:$0x1B580] =	vst v63  }
0x45: {  	_ = 	snop  }
0x46: {  	[tilespmem:s29], [sflag:$0x1] =	stream.indirect.gather.add.f32 [hbm:s3], $0x80, s28, s17, $0xb8;
	[tilespmem:$0x1B580] =	vst v63  }
0x47: {  	_ =	swait.ge [sflag:s20], $0x4000  }
0x48: {  	[sflag:s20] =	ssyncset.done $0x0  }
0x49: {  	[sflag:s20] =	ssyncadd.s32 $0xFFFFC000  }
0x4a: {  	_ =	swait.ge [sflag:s20], $0x4000  }
0x4b: {  	[sflag:s20] =	ssyncset.done $0x0  }
0x4c: {  	[sflag:s20] =	ssyncadd.s32 $0xFFFFC000  }
0x4d: {  	_ =	swait.ge [sflag:s20], $0x4000  }
0x4e: {  	[sflag:s20] =	ssyncset.done $0x0  }
0x4f: {  	[sflag:s20] =	ssyncadd.s32 $0xFFFFC000  }
0x50: {  	_ =	swait.ge [sflag:s20], $0x800  }
0x51: {  	[sflag:s20] =	ssyncset.done $0x0  }
0x52: {  	s16 =	sand.u32 $0x1, s30;
	[sflag:s20] =	ssyncadd.s32 $0xFFFFF800  }
0x53: {  	[hbm4b:s9+s2] =	stream.linear.scatter [tilespmem:s21], [sflag:$0x2], $0xC800, $0x38;
	[tilespmem:$0x1B580] =	vst v63  }
0x54: {  	s0 =	simm.s32 $0xC800;
	p1 =	seq.s32 s16, $0x1;
	_ =	swait.ge [sflag:s30], $0xC800  }
0x55: {  	s0 =	simm.s32 @!p1 $0x0;
	[sflag:s30] =	ssyncset.done $0x0  }
0x56: {  	s15 =	sadd.s32 $0x1900, s0;
	[sflag:s30] =	ssyncadd.s32 $0xFFFF3800  }
0x57: {  	[tilespmem:s15], [sflag:$0x3] =	stream.linear.gather [spmem:s1], $0xC800, $0x38;
	[tilespmem:$0x1B580] =	vst v63  }
0x58: {  	_ =	swait.ge [sflag:s11], $0xC800  }
0x59: {  	[sflag:s11] =	ssyncset.done $0x0  }
0x5a: {  	s18 =	simm.s32 $0x320;
	[sflag:s11] =	ssyncadd.s32 $0xFFFF3800  }
0x5b: {  	[tilespmem:s15], [sflag:$0x1] =	stream.indirect.gather.add.f32 [hbm:s3], $0x80, s18, s13, $0xb8;
	[tilespmem:$0x1B580] =	vst v63  }
0x5c: {  	s19 =	sadd.s32 $0x5900, s0;
	s14 =	simm.s32 $0x3A0  }
0x5d: {  	[tilespmem:s19], [sflag:$0x1] =	stream.indirect.gather.add.f32 [hbm:s3], $0x80, s14, s13, $0xb8;
	[tilespmem:$0x1B580] =	vst v63  }
0x5e: {  	s23 =	sadd.s32 $0x9900, s0;
	s24 =	simm.s32 $0x420  }
0x5f: {  	[tilespmem:s23], [sflag:$0x1] =	stream.indirect.gather.add.f32 [hbm:s3], $0x80, s24, s13, $0xb8;
	[tilespmem:$0x1B580] =	vst v63  }
0x60: {  	s25 =	simm.s32 $0x4A0;
	s0 =	sadd.s32 $0xD900, s0  }
0x61: {  	[tilespmem:s0], [sflag:$0x1] =	stream.indirect.gather.add.f32 [hbm:s3], $0x80, s25, s17, $0xb8;
	[tilespmem:$0x1B580] =	vst v63  }
0x62: {  	_ =	swait.ge [sflag:s20], $0x4000  }
0x63: {  	[sflag:s20] =	ssyncset.done $0x0  }
0x64: {  	[sflag:s20] =	ssyncadd.s32 $0xFFFFC000  }
0x65: {  	_ =	swait.ge [sflag:s20], $0x4000  }
0x66: {  	[sflag:s20] =	ssyncset.done $0x0  }
0x67: {  	[sflag:s20] =	ssyncadd.s32 $0xFFFFC000  }
0x68: {  	_ =	swait.ge [sflag:s20], $0x4000  }
0x69: {  	[sflag:s20] =	ssyncset.done $0x0  }
0x6a: {  	s26 =	simm.s32 $0x3;
	[sflag:s20] =	ssyncadd.s32 $0xFFFFC000  }
0x6b: {  	s10 =	smov.u32 s22;
	s16 =	sand.u32 $0x1, s26;
	_ =	swait.ge [sflag:s20], $0x800  }
0x6c: {  	s18 =	simm.s32 $0xC80;
	s14 =	simm.s32 $0x640;
	[sflag:s20] =	ssyncset.done $0x0  }
0x6d: {  	s19 =	simm.s32 $0x4;
	s0 =	sadd.s32 $0x1900, s22;
	[sflag:s20] =	ssyncadd.s32 $0xFFFFF800  }
.LBB2_2:
0x6e: {  	[hbm4b:s10+s2] =	stream.linear.scatter [tilespmem:s15], [sflag:$0x2], $0xC800, $0x38;
	[tilespmem:$0x1B580] =	vst v63  }
0x6f: {  	s23 =	smov.u32 s18;
	s10 =	smov.u32 s0;
	p2 =	seq.s32 s16, $0x1  }
0x70: {  	s16 =	sand.u32 $0x1, s19;
	s24 =	simm.s32 $0xC800;
	_ =	swait.ge [sflag:s30], $0xC800  }
0x71: {  	p1 =	sne.s32 s18, $0x5140;
	s24 =	simm.s32 @!p2 $0x0;
	[sflag:s30] =	ssyncset.done $0x0  }
0x72: {  	s18 =	sadd.s32 $0x640, s18;
	s15 =	sadd.s32 $0x1900, s24;
	[sflag:s30] =	ssyncadd.s32 $0xFFFF3800  }
0x73: {  	[tilespmem:s15], [sflag:$0x3] =	stream.linear.gather [spmem:s1], $0xC800, $0x38;
	[tilespmem:$0x1B580] =	vst v63  }
0x74: {  	_ =	swait.ge [sflag:s11], $0xC800  }
0x75: {  	s25 =	sshra.s32 s14, $0x2;
	s14 =	smov.u32 s23;
	[sflag:s11] =	ssyncset.done $0x0  }
0x76: {  	s23 =	sadd.s32 $0x320, s25;
	[sflag:s11] =	ssyncadd.s32 $0xFFFF3800  }
0x77: {  	[tilespmem:s15], [sflag:$0x1] =	stream.indirect.gather.add.f32 [hbm:s3], $0x80, s23, s13, $0xb8;
	[tilespmem:$0x1B580] =	vst v63  }
0x78: {  	s26 =	sadd.s32 $0x3A0, s25;
	s23 =	sadd.s32 $0x5900, s24  }
0x79: {  	[tilespmem:s23], [sflag:$0x1] =	stream.indirect.gather.add.f32 [hbm:s3], $0x80, s26, s13, $0xb8;
	[tilespmem:$0x1B580] =	vst v63  }
0x7a: {  	s23 =	sadd.s32 $0x9900, s24;
	s26 =	sadd.s32 $0x420, s25  }
0x7b: {  	[tilespmem:s23], [sflag:$0x1] =	stream.indirect.gather.add.f32 [hbm:s3], $0x80, s26, s13, $0xb8;
	[tilespmem:$0x1B580] =	vst v63  }
0x7c: {  	s23 =	sadd.s32 $0xD900, s24;
	s24 =	sadd.s32 $0x4A0, s25  }
0x7d: {  	[tilespmem:s23], [sflag:$0x1] =	stream.indirect.gather.add.f32 [hbm:s3], $0x80, s24, s17, $0xb8;
	[tilespmem:$0x1B580] =	vst v63  }
0x7e: {  	_ =	swait.ge [sflag:s20], $0x4000  }
0x7f: {  	[sflag:s20] =	ssyncset.done $0x0  }
0x80: {  	[sflag:s20] =	ssyncadd.s32 $0xFFFFC000  }
0x81: {  	_ =	swait.ge [sflag:s20], $0x4000  }
0x82: {  	[sflag:s20] =	ssyncset.done $0x0  }
0x83: {  	[sflag:s20] =	ssyncadd.s32 $0xFFFFC000  }
0x84: {  	_ =	swait.ge [sflag:s20], $0x4000  }
.Ltmp0:
0x85: {  	[sflag:s20] =	ssyncset.done $0x0;
	(pc) =	sbr.rel @p1 .LBB2_2-.Ltmp0, $4  }
0x86: {  	[sflag:s20] =	ssyncadd.s32 $0xFFFFC000  }
0x87: {  	_ =	swait.ge [sflag:s20], $0x800  }
0x88: {  	[sflag:s20] =	ssyncset.done $0x0  }
0x89: {  	s19 =	sadd.s32 $0x1, s19;
	s0 =	sadd.s32 $0x1900, s0;
	[sflag:s20] =	ssyncadd.s32 $0xFFFFF800  }
0x8a: {  	[hbm4b:s10+s2] =	stream.linear.scatter [tilespmem:s15], [sflag:$0x2], $0xC800, $0x38;
	[tilespmem:$0x1B580] =	vst v63  }
0x8b: {  	p1 =	seq.s32 s16, $0x1;
	s10 =	simm.s32 $0xC800;
	_ =	swait.ge [sflag:s30], $0xC800  }
0x8c: {  	s10 =	simm.s32 @!p1 $0x0;
	[sflag:s30] =	ssyncset.done $0x0  }
0x8d: {  	s19 =	sadd.s32 $0x1900, s10;
	[sflag:s30] =	ssyncadd.s32 $0xFFFF3800  }
0x8e: {  	[tilespmem:s19], [sflag:$0x3] =	stream.linear.gather [spmem:s1], $0xC800, $0x38;
	[tilespmem:$0x1B580] =	vst v63  }
0x8f: {  	_ =	swait.ge [sflag:s11], $0xC800  }
0x90: {  	s14 =	sshra.s32 s14, $0x2;
	[sflag:s11] =	ssyncset.done $0x0  }
0x91: {  	s23 =	sadd.s32 $0x320, s14;
	[sflag:s11] =	ssyncadd.s32 $0xFFFF3800  }
0x92: {  	[tilespmem:s19], [sflag:$0x1] =	stream.indirect.gather.add.f32 [hbm:s3], $0x80, s23, s13, $0xb8;
	[tilespmem:$0x1B580] =	vst v63  }
0x93: {  	s18 =	sadd.s32 $0x3A0, s14;
	s24 =	sadd.s32 $0x5900, s10  }
0x94: {  	[tilespmem:s24], [sflag:$0x1] =	stream.indirect.gather.add.f32 [hbm:s3], $0x80, s18, s13, $0xb8;
	[tilespmem:$0x1B580] =	vst v63  }
0x95: {  	s26 =	sadd.s32 $0x420, s14;
	s25 =	sadd.s32 $0x9900, s10  }
0x96: {  	[tilespmem:s25], [sflag:$0x1] =	stream.indirect.gather.add.f32 [hbm:s3], $0x80, s26, s13, $0xb8;
	[tilespmem:$0x1B580] =	vst v63  }
0x97: {  	s14 =	sadd.s32 $0x4A0, s14;
	s10 =	sadd.s32 $0xD900, s10  }
0x98: {  	[tilespmem:s10], [sflag:$0x1] =	stream.indirect.gather.add.f32 [hbm:s3], $0x80, s14, s17, $0xb8;
	[tilespmem:$0x1B580] =	vst v63  }
0x99: {  	_ =	swait.ge [sflag:s20], $0x4000  }
0x9a: {  	[sflag:s20] =	ssyncset.done $0x0  }
0x9b: {  	[sflag:s20] =	ssyncadd.s32 $0xFFFFC000  }
0x9c: {  	_ =	swait.ge [sflag:s20], $0x4000  }
0x9d: {  	[sflag:s20] =	ssyncset.done $0x0  }
0x9e: {  	[sflag:s20] =	ssyncadd.s32 $0xFFFFC000  }
0x9f: {  	_ =	swait.ge [sflag:s20], $0x4000  }
0xa0: {  	[sflag:s20] =	ssyncset.done $0x0  }
0xa1: {  	[sflag:s20] =	ssyncadd.s32 $0xFFFFC000  }
0xa2: {  	_ =	swait.ge [sflag:s20], $0x800  }
0xa3: {  	[sflag:s20] =	ssyncset.done $0x0  }
0xa4: {  	s31 =	sadd.s32 $0x1, s31;
	[sflag:s20] =	ssyncadd.s32 $0xFFFFF800  }
0xa5: {  	[hbm4b:s0+s2] =	stream.linear.scatter [tilespmem:s19], [sflag:$0x2], $0xC800, $0x38;
	[tilespmem:$0x1B580] =	vst v63  }
0xa6: {  	p1 =	sne.s32 s31, s8;
	_ =	swait.ge [sflag:s30], $0xC800  }
.Ltmp1:
0xa7: {  	[sflag:s30] =	ssyncset.done $0x0;
	(pc) =	sbr.rel @p1 .LBB2_1-.Ltmp1, $4  }
0xa8: {  	[sflag:s30] =	ssyncadd.s32 $0xFFFF3800  }
0xa9: {  	_ =	swait.ge [sflag:s30], $0xC800  }
0xaa: {  	[sflag:s30] =	ssyncset.done $0x0  }
0xab: {  	[sflag:s30] =	ssyncadd.s32 $0xFFFF3800  }
0xac: {  	_ =	sfence.sel $0x180000  }
0xad: {  	[bflag:$0x0] =	sbarrier.arrive $0xFFFF  }
0xae: {  	_ =	strace $0x90000047  }
0xaf: {  	[bflag:$0x2] =	sbarrier.arrive $0xFFFF  }
0xb0: {  	s0 =	rddreg [dreg:$0x3]  }
0xb1: {  	s0 =	sadd.s32 @!p0 $0x100000, s0  }
0xb2: {  	[sflag:s0] =	ssyncadd.tile.s32 @!p0 $0x1;
	_ =	shalt  }
.Lfunc_end2:
_tile_overlayer_lowered:
.L_overlay_start_2:
0xb3: {  	(tag) =	ssettag $0x2  }
0xb4: {  	s0 =	rddreg [dreg:$0x0];
	s2 =	stileid.u32  }
0xb5: {  	s1 =	rddreg [dreg:$0x1];
	p0 =	sne.s32 s2, $0x0  }
0xb6: {  	s3 =	rddreg [dreg:$0x2];
	[bflag:$0x3] =	sbarrier.arrive $0xFFFF;
	s2 =	simm.s32 @!p0 $0x1C03  }
0xb7: {  	[timem:s3], [sflag:s2] =	dma.local @!p0 [hbm:s0], s1  }
0xb8: {  	s0 =	simm.s32 @!p0 $0x3  }
0xb9: {  	_ =	swait.ge @!p0 [sflag:s0], s1  }
0xba: {  	s1 =	ssub.s32 @!p0 $0x0, s1;
	[sflag:s0] =	ssyncset.done @!p0 $0x0  }
0xbb: {  	[sflag:s0] =	ssyncadd.s32 @!p0 s1  }
0xbc: {  	[bflag:$0x3] =	sbarrier.arrive $0xFFFF  }
0xbd: {  	_ =	shalt  }

// kernel: sparse-core-data-format-call.cloned.1.call-start
scs
called_computation_lowered:
.L_overlay_start_0:
0x0: {  	s2 =	sld [smem:$0x3FD9]  }
0x1: {  	s3 =	sld [smem:$0x3FFE];
	_ =	sdelay $0x1  }
0x2: {  	s1 =	srdreg.scid  }
0x3: {  	s0 =	sand.u32 $0x1, s1  }
0x4: {  	s18 =	sshll.u32 s0, $0xA;
	s2 =	sadd.s32 s3, s2  }
0x5: {  	s2 =	sadd.s32 s2, s18  }
0x6: {  	[smem:$0x3FC5] =	sst s2  }
0x7: {  	_ = 	snop  }
0x8: {  	s2 =	sld [smem:$0x3FD0];
	(tm) =	ssettm $0x1  }
0x9: {  	s19 =	sld [smem:$0x3FFB];
	_ =	sdelay $0x3  }
0xa: {  	_ =	strace s19  }
0xb: {  	s3 =	sld [smem:$0x3FFC];
	_ =	sdelay $0x3  }
0xc: {  	_ =	strace s3  }
0xd: {  	s3 =	sld [smem:$0x3FFD];
	_ =	sdelay $0x3  }
0xe: {  	_ =	strace s3  }
0xf: {  	_ =	strace $0x8FFFFFFF  }
0x10: {  	s20 =	sld [smem:$0x3FDB];
	_ =	sdelay $0x1  }
0x11: {  	s4 =	simm.s32 $_scs_section_size  }
0x12: {  	s5 =	simm.s32 $_size__tile_overlayer_lowered;
	s6 =	simm.s32 $_tile_overlayer_lowered  }
0x13: {  	s23 =	simm.s32 $0x1BFF;
	s22 =	sshll.u32 s6, $0x1;
	s3 =	sadd.s32 s4, s20  }
0x14: {  	s7 =	simm.s32 $0x0;
	s21 =	sshll.u32 s5, $0x1;
	s5 =	sadd.s32 s22, s3  }
0x15: {  	[timem:s7], [sflag:s23] =	dma.local [hbm:s5], s21  }
0x16: {  	_ =	swait.ge [sflag:s23], s21  }
0x17: {  	s4 =	ssub.s32 $0x0, s21;
	[sflag:s23] =	ssyncset.done $0x0  }
0x18: {  	[sflag:s23] =	ssyncadd.s32 s4;
	_ =	sdelay $0x1  }
0x19: {  	s24 =	simm.s32 $0x1B8B  }
0x1a: {  	_ =	swait.ge [sflag:s24], $0x1  }
0x1b: {  	[sflag:s24] =	ssyncset.done $0x0  }
0x1c: {  	s26 =	simm.s32 $0x1B8E;
	s25 =	sld [smem:$0x3FFE];
	[sflag:s24] =	ssyncadd.s32 $0xFFFFFFFF  }
0x1d: {  	s27 =	simm.s32 $execute0_lowered;
	[smem:$0x3FD2] =	sst s26  }
0x1e: {  	s5 =	sshll.u32 s27, $0x1;
	_ =	strace $0x80000049;
	[dreg:$0x1] =	wrdreg $0xFFFFFFFF  }
0x1f: {  	s28 =	simm.s32 $_size_execute0_lowered;
	s3 =	sadd.s32 s3, s5;
	[dreg:$0x0] =	wrdreg $0x0  }
0x20: {  	s5 =	sshll.u32 s28, $0x1;
	[dreg:$0x2] =	wrdreg s3  }
0x21: {  	[dreg:$0x3] =	wrdreg s5  }
0x22: {  	[dreg:$0x4] =	wrdreg $0xC0  }
0x23: {  	_ =	task [dreg:s7], $0x5FFFF  }
0x24: {  	[dreg:$0x1] =	wrdreg $0xFFFFFFFF  }
0x25: {  	[dreg:$0x0] =	wrdreg $0x60  }
0x26: {  	[dreg:$0x2] =	wrdreg s25  }
0x27: {  	[dreg:$0x3] =	wrdreg s2  }
0x28: {  	[dreg:$0x4] =	wrdreg $0x9  }
0x29: {  	_ =	task.clear_ibuf [dreg:s7], $0x5FFFF;
	_ =	strace $0x90000049  }
0x2a: {  	s29 =	simm.s32 $0x9;
	_ =	strace $0x8000004B  }
0x2b: {  	_ =	swait.ge [sflag:s29], $0x1  }
0x2c: {  	[sflag:s29] =	ssyncadd.s32 $0xFFFFFFFF  }
0x2d: {  	_ =	strace $0x9000004B  }
0x2e: {  	_ =	sfence  }
0x2f: {  	s30 =	sld [smem:$0x0];
	_ =	sdelay $0x2  }
0x30: {  	s31 =	sshll.u32 s1, $0xD;
	s1 =	sshrl.u32 s1, $0x2  }
0x31: {  	s3 =	sand.u32 $0x4000, s31;
	s1 =	sadd.s32 s1, s30  }
0x32: {  	s0 =	sor.u32 s3, s0;
	s1 =	sshll.u32 s1, $0x11  }
0x33: {  	s0 =	sor.u32 s1, s0  }
0x34: {  	s0 =	sadd.s32 $0x8F2B, s0  }
0x35: {  	[sflag:s0] =	ssyncadd.remote.s32 $0x1  }
0x36: {  	_ =	sfence.sel $0xFFFF  }
0x37: {  	[dreg:$0x0] =	wrdreg $0xFFFFFFFF;
	(pc) =	sbr.abs _section_cstart, $3  }
0x38: {  	[dreg:$0x1] =	wrdreg $0xFFFFFFFF  }
0x39: {  	_ =	task.clear_ibuf [dreg:s7], $0x2FFFF;
	_ =	strace $0x9FFFFFFF  }
0x3a: {  	(tm) =	ssettm $0x7FFFFFFF  }
0x3b: {  	_ =	shalt  }
tec
execute0_lowered:
.L_overlay_start_1:
0x0: {  	(tag) =	ssettag $0x1  }
0x1: {  	s0 =	stileid.u32;
	s6 =	rddreg [dreg:$0x0]  }
0x2: {  	s2 =	rddreg [dreg:$0x1];
	s5 =	srdreg.scid  }
0x3: {  	s31 =	simm.s32 $0x2;
	s13 =	simm.s32 $0x0;
	s1 =	sshll.u32 s0, $0x7  }
0x4: {  	s14 =	simm.s32 $0x0;
	s12 =	simm.s32 $0x0;
	s3 =	sand.u32 $0x380, s1  }
0x5: {  	s5 =	sshll.u32 s5, $0x4;
	s6 =	sadd.s32 $0xF43C00, s6;
	s4 =	ssub.s32 $0x400, s3  }
0x6: {  	s1 =	rddreg [dreg:$0x2];
	_ =	strace $0x8000004A;
	s7 =	sand.u32 $0x380, s4  }
0x7: {  	s5 =	sand.u32 $0x10, s5;
	p0 =	sne.s32 s7, $0x0;
	s7 =	simm.s32 $0x1  }
.Ltmp0:
0x8: {  	s8 =	sshrl.u32 s4, $0xA;
	s7 =	simm.s32 @!p0 $0x0;
	(pc) =	sbr.rel .LBB1_1-.Ltmp0, $4  }
0x9: {  	s9 =	sor.u32 s0, s5;
	s4 =	simm.s32 $0x1;
	s30 =	sadd.s32 s7, s8  }
0xa: {  	s11 =	smov.u32 s3;
	[sflag:s4] =	ssyncpa.u1 $0x0;
	s5 =	smul.u32 $0x32, s30  }
0xb: {  	[sflag:s31] =	ssyncpa.u1 $0x0;
	p0 =	por $0x0, $0x0;
	s7 =	sshrl.u32 s9, $0x3  }
0xc: {  	s9 =	simm.s32 $0x2000;
	s10 =	smov.u32 s7;
	s8 =	sor.u32 $0x1, s5  }
.LBB1_4:
0xd: {  	s17 =	sand.u32 $0x1F80, s14;
	s13 =	sshll.u32 s13, $0xD  }
0xe: {  	[tilespmem:s16+$0x810 ss:$0x81] =	vst.msk $0xffff, v2;
	s18 =	sshrl.u32 s14, $0x3;
	s31 =	sand.u32 $0x7, s14;
	s17 =	sadd.s32 s2, s17  }
0xf: {  	[tilespmem:s16+$0x1020 ss:$0x81] =	vst.msk $0xffff, v0;
	s18 =	sand.u32 $0xF, s18;
	s14 =	sshll.u32 s31, $0x12;
	s13 =	sadd.s32 s13, s17  }
0x10: {  	[tilespmem:s16+$0x0 ss:$0x81] =	vst.msk $0xffff, v1;
	s14 =	sor.u32 $0x400, s14;
	s13 =	sadd.s32 s18, s13  }
0x11: {  	[hbm4b:s13+s14] =	stream.strided.scatter [tilespmem:s15], [sflag:$0x2], $0x2000, s9, s14, $0x20;
	[tilespmem:$0x8080] =	vst v63  }
.LBB1_5:
0x12: {  	s15 =	sadd.s32 $0x4, s10  }
0x13: {  	s13 =	sadd.s32 $0x400, s11;
	s17 =	smov.u32 s11;
	p2 =	sgt.s32 s15, $0xC7  }
0x14: {  	s17 =	smov.u32 @p2 s13  }
0x15: {  	s15 =	smov.u32 @p2 s7;
	p2 =	sgt.s32 s17, $0x3FF  }
0x16: {  	s17 =	smov.u32 @p2 s3;
	p2 =	sne.s32 s12, s8  }
.Ltmp1:
0x17: {  	p1 =	slt.u32 s12, $0x2;
	(pc) =	sbr.rel @!p2 .LBB1_6-.Ltmp1, $4  }
0x18: {  	s16 =	simm.s32 @!p1 $0x2  }
0x19: {  	s14 =	smov.u32 s11;
	p0 =	por !p0, !p0;
	_ =	swait.ge @!p1 [sflag:s16], $0x2000  }
0x1a: {  	s13 =	smov.u32 s10;
	[sflag:s16] =	ssyncset.done @!p1 $0x0;
	s10 =	smov.u32 s15  }
0x1b: {  	s12 =	sadd.s32 $0x1, s12;
	[sflag:s16] =	ssyncadd.s32 @!p1 $0xFFFFE000;
	s11 =	smov.u32 s17  }
.LBB1_1:
0x1c: {  	p1 =	sge.u32 s12, s5  }
0x1d: {  	s15 =	sand.u32 @!p1 $0x1FFFFFF, s10  }
0x1e: {  	s16 =	smulhi.u32 @!p1 $0x147AE15, s15;
	_ =	sdelay $0x1  }
0x1f: {  	s16 =	smul.u32 @!p1 $0xC8, s16  }
0x20: {  	s17 =	sxor.u32 @!p1 $0xFFFFFFFF, s12;
	s18 =	smul.u32 @!p1 $0xC80, s11  }
0x21: {  	s31 =	sadd.s32 $0xFFFFFFFF, s12;
	s17 =	sshll.u32 @!p1 s17, $0xD;
	s15 =	ssub.s32 @!p1 s15, s16  }
0x22: {  	s16 =	sand.u32 @!p1 $0x2000, s17;
	s17 =	sadd.s32 @!p1 s6, s18;
	s15 =	sshll.u32 @!p1 s15, $0x4  }
0x23: {  	s18 =	simm.s32 @!p1 $0x6400;
	s15 =	sadd.s32 @!p1 s15, s17;
	s17 =	simm.s32 @!p1 $0x40  }
0x24: {  	[tilespmem:s16], [sflag:$0x1] =	stream.strided.gather @!p1 [hbm4b:s15+s17], $0x2000, s18, s17, $0x38;
	[tilespmem:$0x8080] =	vst v63  }
0x25: {  	p1 =	sge.u32 s31, s5  }
.Ltmp2:
0x26: {  	_ = 	snop;
	(pc) =	sbr.rel @p1 .LBB1_5-.Ltmp2, $1  }
0x27: {  	_ =	sdelay $0x3  }
0x28: {  	s15 =	simm.s32 $0x1  }
0x29: {  	_ =	swait.ge [sflag:s4], $0x2000;
	s15 =	simm.s32 @!p0 $0x0  }
0x2a: {  	[sflag:s4] =	ssyncset.done $0x0;
	s16 =	sshll.u32 s15, $0xD  }
0x2b: {  	[sflag:s4] =	ssyncadd.s32 $0xFFFFE000;
	s19 =	sor.u32 $0x20, s16  }
0x2c: {  	s15 =	smul.u32 $0x8100, s15;
	v3 =	vld [tilespmem:s19+$0x10]  }
0x2d: {  	s30 =	sand.u32 $0x1, s12;
	v2 =	vld [tilespmem:s19+$0xFFFFFFF0]  }
0x2e: {  	s16 =	smul.u32 $0x8100, s30;
	s15 =	sshrl.u32 s15, $0x2;
	v0 =	vld [tilespmem:s19+$0x0]  }
0x2f: {  	v1 =	vld [tilespmem:s19+$0xFFFFFFE0];
	s17 =	sor.u32 $0x4000, s15  }
0x30: {  	s31 =	sshrl.u32 s16, $0x2;
	s16 =	sadd.s32 $0x0, s17  }
0x31: {  	s18 =	simm.s32 $0x4;
	s19 =	sadd.s32 $0x40, s19;
	s15 =	sor.u32 $0x4000, s31;
	[tilespmem:s16+$0x1830 ss:$0x81] =	vst.msk $0xffff, v3  }
.LBB1_3:
0x32: {  	v3 =	vld [tilespmem:s19+$0x10];
	p1 =	sne.s32 s18, $0x1FC;
	[tilespmem:s16+$0x810 ss:$0x81] =	vst.msk $0xffff, v2;
	s20 =	smov.u32 s18;
	s18 =	sadd.s32 $0x4, s18  }
.Ltmp3:
0x33: {  	v2 =	vld [tilespmem:s19+$0xFFFFFFF0];
	[tilespmem:s16+$0x1020 ss:$0x81] =	vst.msk $0xffff, v0;
	(pc) =	sbr.rel @p1 .LBB1_3-.Ltmp3, $4  }
0x34: {  	v0 =	vld [tilespmem:s19+$0x0];
	[tilespmem:s16+$0x0 ss:$0x81] =	vst.msk $0xffff, v1  }
0x35: {  	s16 =	sshra.s32 s20, $0x2;
	v1 =	vld [tilespmem:s19+$0xFFFFFFE0]  }
0x36: {  	s16 =	sadd.s32 s16, s17  }
0x37: {  	s19 =	sadd.s32 $0x40, s19;
	[tilespmem:s16+$0x1830 ss:$0x81] =	vst.msk $0xffff, v3  }
.Ltmp4:
0x38: {  	_ = 	snop;
	(pc) =	sbr.rel .LBB1_4-.Ltmp4, $1  }
0x39: {  	_ =	sdelay $0x3  }
.LBB1_6:
0x3a: {  	_ =	sfence.sel $0x180000  }
0x3b: {  	s2 =	simm.s32 $0x1;
	[bflag:$0x0] =	sbarrier.arrive $0xFFFF  }
0x3c: {  	s31 =	simm.s32 $0x2;
	[sflag:s2] =	ssyncpa.u1 $0x1  }
0x3d: {  	[sflag:s31] =	ssyncpa.u1 $0x1  }
0x3e: {  	p0 =	sne.s32 s0, $0x0;
	_ =	strace $0x9000004A  }
0x3f: {  	s0 =	sadd.s32 @!p0 $0x100000, s1;
	[bflag:$0x2] =	sbarrier.arrive $0xFFFF  }
0x40: {  	[sflag:s0] =	ssyncadd.tile.s32 @!p0 $0x1;
	_ =	shalt  }
.Lfunc_end1:
_tile_overlayer_lowered:
.L_overlay_start_2:
0x41: {  	(tag) =	ssettag $0x2  }
0x42: {  	s0 =	rddreg [dreg:$0x0];
	s2 =	stileid.u32  }
0x43: {  	s1 =	rddreg [dreg:$0x1];
	p0 =	sne.s32 s2, $0x0  }
0x44: {  	s3 =	rddreg [dreg:$0x2];
	[bflag:$0x3] =	sbarrier.arrive $0xFFFF;
	s2 =	simm.s32 @!p0 $0x1C01  }
0x45: {  	[timem:s3], [sflag:s2] =	dma.local @!p0 [hbm:s0], s1  }
0x46: {  	s0 =	simm.s32 @!p0 $0x1  }
0x47: {  	_ =	swait.ge @!p0 [sflag:s0], s1  }
0x48: {  	s1 =	ssub.s32 @!p0 $0x0, s1;
	[sflag:s0] =	ssyncset.done @!p0 $0x0  }
0x49: {  	[sflag:s0] =	ssyncadd.s32 @!p0 s1  }
0x4a: {  	[bflag:$0x3] =	sbarrier.arrive $0xFFFF  }
0x4b: {  	_ =	shalt  }

</sc_bundles>
